<compile_context>
chip_gen: v7x
topology: tpu7x:2x2x1
jax: 0.10.2.dev20260603
libtpu: 0.0.44.dev20260713+nightly
codegen_flags: <defaults>
</compile_context>

<pallas_src>
import functools

import jax
import jax.numpy as jnp
from jax import lax
from jax.experimental import pallas as pl
from jax.experimental.pallas import tpu as pltpu
from jax.experimental.pallas import tpu_sc as plsc

T = 16384
H = 2048
E = 16

NUM_WORKERS = 32
CHUNKS = 1


MM_TILE = 512
NBUF = 4


def _make_mm_body(nblk, c):
    def body(h_hbm, w_hbm, o_hbm, ot_hbm,
             wv, hbufs, obufs, otbufs, in_sems, out_sems, wsem):
        cw = pltpu.make_async_copy(w_hbm, wv, wsem)
        cw.start()
        cw.wait()

        def in_copy(i, slot):
            return pltpu.make_async_copy(
                h_hbm.at[pl.ds((c * nblk + i) * MM_TILE, MM_TILE)],
                hbufs.at[slot], in_sems.at[slot])

        def out_copy(i, oslot):
            return pltpu.make_async_copy(
                obufs.at[oslot], o_hbm.at[pl.ds(i * MM_TILE, MM_TILE)],
                out_sems.at[oslot, 0])

        def out_copy_t(i, oslot):
            return pltpu.make_async_copy(
                otbufs.at[oslot], ot_hbm.at[:, pl.ds(i * MM_TILE, MM_TILE)],
                out_sems.at[oslot, 1])

        for i in range(min(NBUF, nblk)):
            in_copy(i, i).start()

        def step(i, carry):
            for slot in range(NBUF):
                @pl.when(lax.rem(i, NBUF) == slot)
                def _():
                    in_copy(i, slot).wait()
                    acc = jnp.dot(hbufs[slot], wv[...],
                                  preferred_element_type=jnp.float32)
                    acc = jnp.clip(acc, -50.0, 50.0)
                    for oslot in range(2):
                        @pl.when(lax.rem(i, 2) == oslot)
                        def _():
                            @pl.when(i >= 2)
                            def _():
                                out_copy(i - 2, oslot).wait()
                                out_copy_t(i - 2, oslot).wait()
                            obufs[oslot] = acc
                            otbufs[oslot] = acc.T
                            out_copy(i, oslot).start()
                            out_copy_t(i, oslot).start()

                    @pl.when(i + NBUF < nblk)
                    def _():
                        in_copy(i + NBUF, slot).start()
            return carry

        lax.fori_loop(0, nblk, step, 0)

        for i in range(max(nblk - 2, 0), nblk):
            out_copy(i, i % 2).wait()
            out_copy_t(i, i % 2).wait()

    return body


def _gate_logits(hidden_states, gate_wt, chunk_t, c):
    nblk = chunk_t // MM_TILE
    return pl.pallas_call(
        _make_mm_body(nblk, c),
        in_specs=[
            pl.BlockSpec(memory_space=pl.ANY),
            pl.BlockSpec(memory_space=pl.ANY),
        ],
        out_specs=[
            pl.BlockSpec(memory_space=pl.ANY),
            pl.BlockSpec(memory_space=pl.ANY),
        ],
        out_shape=[
            jax.ShapeDtypeStruct((chunk_t, E), jnp.float32),
            jax.ShapeDtypeStruct((E, chunk_t), jnp.float32),
        ],
        scratch_shapes=[
            pltpu.VMEM((H, E), jnp.float32),
            pltpu.VMEM((NBUF, MM_TILE, H), jnp.float32),
            pltpu.VMEM((2, MM_TILE, E), jnp.float32),
            pltpu.VMEM((2, E, MM_TILE), jnp.float32),
            pltpu.SemaphoreType.DMA((NBUF,)),
            pltpu.SemaphoreType.DMA((2, 2)),
            pltpu.SemaphoreType.DMA,
        ],
    )(hidden_states, gate_wt)


def _make_route_body(per_w):
    groups = per_w // 16

    def _route_body(lgt_hbm, wt_hbm, it_hbm, lgt_v, wt_v, it_v):
        wid = lax.axis_index("s") * 2 + lax.axis_index("c")
        base = wid * per_w
        pltpu.sync_copy(lgt_hbm.at[:, pl.ds(base, per_w)], lgt_v)

        def group(g, carry):
            off = g * 16
            m1 = lgt_v[0, pl.ds(off, 16)]
            i1 = jnp.zeros((16,), jnp.int32)
            m2 = jnp.full((16,), -jnp.inf, jnp.float32)
            i2 = jnp.zeros((16,), jnp.int32)
            for e in range(1, E):
                e_vec = jnp.full((16,), e, jnp.int32)
                v = lgt_v[e, pl.ds(off, 16)]
                gt1 = v > m1
                gt2 = v > m2
                m2 = jnp.where(gt1, m1, jnp.where(gt2, v, m2))
                i2 = jnp.where(gt1, i1, jnp.where(gt2, e_vec, i2))
                m1 = jnp.where(gt1, v, m1)
                i1 = jnp.where(gt1, e_vec, i1)
            e2 = jnp.exp(m2 - m1)
            denom = 1.0 + e2
            wt_v[0, pl.ds(off, 16)] = 1.0 / denom
            wt_v[1, pl.ds(off, 16)] = e2 / denom
            it_v[0, pl.ds(off, 16)] = i1
            it_v[1, pl.ds(off, 16)] = i2
            return carry

        lax.fori_loop(0, groups, group, 0)

        pltpu.sync_copy(wt_v, wt_hbm.at[:, pl.ds(base, per_w)])
        pltpu.sync_copy(it_v, it_hbm.at[:, pl.ds(base, per_w)])

    return _route_body


def _route(logits_t, chunk_t):
    per_w = chunk_t // NUM_WORKERS
    mesh = plsc.VectorSubcoreMesh(core_axis_name="c", subcore_axis_name="s")
    f = functools.partial(
        pl.kernel,
        mesh=mesh,
        out_type=(
            jax.ShapeDtypeStruct((2, chunk_t), jnp.float32),
            jax.ShapeDtypeStruct((2, chunk_t), jnp.int32),
        ),
        scratch_types=[
            pltpu.VMEM((E, per_w), jnp.float32),
            pltpu.VMEM((2, per_w), jnp.float32),
            pltpu.VMEM((2, per_w), jnp.int32),
        ],
    )(_make_route_body(per_w))
    return f(logits_t)


@jax.jit
def _run(hidden_states, gate_wt):
    chunk_t = T // CHUNKS
    lg, wt, it = [], [], []
    for c in range(CHUNKS):
        logits_c, logits_t_c = _gate_logits(hidden_states, gate_wt,
                                            chunk_t, c)
        wt_c, it_c = _route(logits_t_c, chunk_t)
        lg.append(logits_c)
        wt.append(wt_c)
        it.append(it_c)
    logits = lg[0] if CHUNKS == 1 else jnp.concatenate(lg, axis=0)
    weights = (wt[0].T if CHUNKS == 1
               else jnp.concatenate([w.T for w in wt], axis=0))
    indices = (it[0].T if CHUNKS == 1
               else jnp.concatenate([i.T for i in it], axis=0))
    return logits, weights, indices


def kernel(hidden_states, gate_w):
    return _run(hidden_states, gate_w.T)

# --- scband reference (transcript-rebuilt; emitter-appended) ---
"""Pipeline reference for scband-srderouter-19232863552288 (READ-ONLY COPY).

The authoritative reference and input builder live on the scoring server;
editing this copy changes nothing except your own understanding.
"""

import jax, jax.numpy as jnp
import numpy as np

T = 16384  # 4 * 4096 tokens
H = 2048
E = 16
TOPK = 2


def setup_inputs(seed: int = 0) -> dict:
    key = jax.random.key(seed)
    k1, k2 = jax.random.split(key)
    hidden_states = jax.random.normal(k1, (T, H), dtype=jnp.float32)
    # gate: nn.Linear(hidden_size, num_experts, bias=False), init normal(0, 0.01)
    gate_w = jax.random.normal(k2, (E, H), dtype=jnp.float32) * 0.01
    return {"hidden_states": hidden_states, "gate_w": gate_w}


def reference(hidden_states, gate_w):
    # router_logits = self.gate(hidden_states)
    router_logits = hidden_states @ gate_w.T
    # check_tensor_health: replace NaN with 0, clamp Inf to +/-1e6
    router_logits = jnp.nan_to_num(router_logits, nan=0.0)
    router_logits = jnp.clip(router_logits, -1000000.0, 1000000.0)
    # clamp to [-50, 50]
    router_logits = jnp.clip(router_logits, -50.0, 50.0)
    effective_k = min(TOPK, E)
    top_weights, top_indices = jax.lax.top_k(router_logits, effective_k)
    router_weights = jax.nn.softmax(top_weights, axis=-1)
    router_weights = jnp.nan_to_num(router_weights, nan=0.0)
    return (router_logits, router_weights, top_indices)

if __name__ == "__main__":
    import jax
    _d = setup_inputs()
    print(jax.jit(kernel)(*tuple(_d.values())))

</pallas_src>

<mosaic_0001>
#map = affine_map<(d0, d1) -> (0, 0)>
module attributes {stable_mosaic.version = 14 : i64} {
  func.func @_route_body(%arg0: i32, %arg1: i32, %arg2: memref<16x16384xf32, #tpu.memory_space<hbm>>, %arg3: memref<2x16384xf32, #tpu.memory_space<hbm>>, %arg4: memref<2x16384xi32, #tpu.memory_space<hbm>>, %arg5: memref<16x512xf32, #tpu.memory_space<vmem>>, %arg6: memref<2x512xf32, #tpu.memory_space<vmem>>, %arg7: memref<2x512xi32, #tpu.memory_space<vmem>>) attributes {dimension_semantics = [#tpu.dimension_semantics<core_parallel>, #tpu.dimension_semantics<subcore_parallel>], iteration_bounds = array<i64: 2, 16>, scalar_prefetch = 0 : i64, scratch_operands = 3 : i64, tpu.core_type = #tpu.core_type<sc_vector_subcore>, window_params = [{transform_indices = #map}, {transform_indices = #map}, {transform_indices = #map}]} {
    %mul3A = arith.constant 2 : i32
    %mul3A_0 = arith.muli %arg1, %mul3A : i32
    %add3A = arith.addi %mul3A_0, %arg0 : i32
    %mul3A_1 = arith.constant 512 : i32
    %mul3A_2 = arith.muli %add3A, %mul3A_1 : i32
    "tpu.region"() ({
      %run_scoped3A = tpu.sem_alloc : memref<!tpu.dma_semaphore, #tpu.memory_space<semaphore_mem>>
      %dma_start3A = arith.constant 0 : i32
      %dma_start3A_8 = tpu.memref_slice %arg2[%dma_start3A, %mul3A_2] : memref<16x16384xf32, #tpu.memory_space<hbm>> -> memref<16x512xf32, #tpu.memory_space<hbm>>
      %dma_start3A_9 = arith.constant 0 : i32
      %dma_start3A_10 = tpu.memref_slice %arg2[%dma_start3A_9, %mul3A_2] : memref<16x16384xf32, #tpu.memory_space<hbm>> -> memref<16x512xf32, #tpu.memory_space<hbm>>
      tpu.enqueue_dma source(%dma_start3A_10 : memref<16x512xf32, #tpu.memory_space<hbm>>) target(%arg5 : memref<16x512xf32, #tpu.memory_space<vmem>>) target_semaphore(%run_scoped3A : memref<!tpu.dma_semaphore, #tpu.memory_space<semaphore_mem>>)
      %dma_wait3A = arith.constant 0 : i32
      %dma_wait3A_11 = tpu.memref_slice %arg2[%dma_wait3A, %mul3A_2] : memref<16x16384xf32, #tpu.memory_space<hbm>> -> memref<16x512xf32, #tpu.memory_space<hbm>>
      %dma_wait3A_12 = arith.constant 0 : i32
      %dma_wait3A_13 = tpu.memref_slice %arg2[%dma_wait3A_12, %mul3A_2] : memref<16x16384xf32, #tpu.memory_space<hbm>> -> memref<16x512xf32, #tpu.memory_space<hbm>>
      tpu.wait_dma2 semaphore(%run_scoped3A : memref<!tpu.dma_semaphore, #tpu.memory_space<semaphore_mem>>) src(%dma_wait3A_13 : memref<16x512xf32, #tpu.memory_space<hbm>>) dst(%arg5 : memref<16x512xf32, #tpu.memory_space<vmem>>)
      tpu.yield
    }) : () -> ()
    %scan3A = arith.constant 0 : i32
    %scan3A_3 = arith.constant 0 : i32
    %scan3A_4 = arith.constant 32 : i32
    %scan3A_5 = arith.addi %scan3A_3, %scan3A_4 : i32
    %scan3A_6 = arith.constant 1 : i32
    scf.for %scan3A_8 = %scan3A_3 to %scan3A_5 step %scan3A_6  : i32 {
      %mul3A_9 = arith.constant 16 : i32
      %mul3A_10 = arith.muli %scan3A_8, %mul3A_9 : i32
      %get3A = arith.constant 0 : i32
      %get3A_11 = arith.index_cast %get3A : i32 to index
      %get3A_12 = arith.index_cast %mul3A_10 : i32 to index
      %get3A_13 = tpu.vector_load %arg5[%get3A_11, %get3A_12] {strides = array<i32>} : memref<16x512xf32, #tpu.memory_space<vmem>>, vector<1x16xf32>,
      %get3A_14 = vector.shape_cast %get3A_13 : vector<1x16xf32> to vector<16xf32>
      %broadcast_in_dim3A = arith.constant 0 : i32
      %broadcast_in_dim3A_15 = vector.broadcast %broadcast_in_dim3A : i32 to vector<16xi32>
      %broadcast_in_dim3A_16 = arith.constant 0xFF800000 : f32
      %broadcast_in_dim3A_17 = vector.broadcast %broadcast_in_dim3A_16 : f32 to vector<16xf32>
      %broadcast_in_dim3A_18 = arith.constant 0 : i32
      %broadcast_in_dim3A_19 = vector.broadcast %broadcast_in_dim3A_18 : i32 to vector<16xi32>
      %broadcast_in_dim3A_20 = arith.constant 1 : i32
      %broadcast_in_dim3A_21 = vector.broadcast %broadcast_in_dim3A_20 : i32 to vector<16xi32>
      %get3A_22 = arith.constant 1 : i32
      %get3A_23 = arith.index_cast %get3A_22 : i32 to index
      %get3A_24 = arith.index_cast %mul3A_10 : i32 to index
      %get3A_25 = tpu.vector_load %arg5[%get3A_23, %get3A_24] {strides = array<i32>} : memref<16x512xf32, #tpu.memory_space<vmem>>, vector<1x16xf32>,
      %get3A_26 = vector.shape_cast %get3A_25 : vector<1x16xf32> to vector<16xf32>
      %gt3A = arith.cmpf ogt, %get3A_26, %get3A_14 : vector<16xf32>
      %gt3A_27 = arith.cmpf ogt, %get3A_26, %broadcast_in_dim3A_17 : vector<16xf32>
      %select_n3A = arith.select %gt3A_27, %get3A_26, %broadcast_in_dim3A_17 : vector<16xi1>, vector<16xf32>
      %select_n3A_28 = arith.select %gt3A, %get3A_14, %select_n3A : vector<16xi1>, vector<16xf32>
      %select_n3A_29 = arith.select %gt3A_27, %broadcast_in_dim3A_21, %broadcast_in_dim3A_19 : vector<16xi1>, vector<16xi32>
      %select_n3A_30 = arith.select %gt3A, %broadcast_in_dim3A_15, %select_n3A_29 : vector<16xi1>, vector<16xi32>
      %select_n3A_31 = arith.select %gt3A, %get3A_26, %get3A_14 : vector<16xi1>, vector<16xf32>
      %select_n3A_32 = arith.select %gt3A, %broadcast_in_dim3A_21, %broadcast_in_dim3A_15 : vector<16xi1>, vector<16xi32>
      %broadcast_in_dim3A_33 = arith.constant 2 : i32
      %broadcast_in_dim3A_34 = vector.broadcast %broadcast_in_dim3A_33 : i32 to vector<16xi32>
      %get3A_35 = arith.constant 2 : i32
      %get3A_36 = arith.index_cast %get3A_35 : i32 to index
      %get3A_37 = arith.index_cast %mul3A_10 : i32 to index
      %get3A_38 = tpu.vector_load %arg5[%get3A_36, %get3A_37] {strides = array<i32>} : memref<16x512xf32, #tpu.memory_space<vmem>>, vector<1x16xf32>,
      %get3A_39 = vector.shape_cast %get3A_38 : vector<1x16xf32> to vector<16xf32>
      %gt3A_40 = arith.cmpf ogt, %get3A_39, %select_n3A_31 : vector<16xf32>
      %gt3A_41 = arith.cmpf ogt, %get3A_39, %select_n3A_28 : vector<16xf32>
      %select_n3A_42 = arith.select %gt3A_41, %get3A_39, %select_n3A_28 : vector<16xi1>, vector<16xf32>
      %select_n3A_43 = arith.select %gt3A_40, %select_n3A_31, %select_n3A_42 : vector<16xi1>, vector<16xf32>
      %select_n3A_44 = arith.select %gt3A_41, %broadcast_in_dim3A_34, %select_n3A_30 : vector<16xi1>, vector<16xi32>
      %select_n3A_45 = arith.select %gt3A_40, %select_n3A_32, %select_n3A_44 : vector<16xi1>, vector<16xi32>
      %select_n3A_46 = arith.select %gt3A_40, %get3A_39, %select_n3A_31 : vector<16xi1>, vector<16xf32>
      %select_n3A_47 = arith.select %gt3A_40, %broadcast_in_dim3A_34, %select_n3A_32 : vector<16xi1>, vector<16xi32>
      %broadcast_in_dim3A_48 = arith.constant 3 : i32
      %broadcast_in_dim3A_49 = vector.broadcast %broadcast_in_dim3A_48 : i32 to vector<16xi32>
      %get3A_50 = arith.constant 3 : i32
      %get3A_51 = arith.index_cast %get3A_50 : i32 to index
      %get3A_52 = arith.index_cast %mul3A_10 : i32 to index
      %get3A_53 = tpu.vector_load %arg5[%get3A_51, %get3A_52] {strides = array<i32>} : memref<16x512xf32, #tpu.memory_space<vmem>>, vector<1x16xf32>,
      %get3A_54 = vector.shape_cast %get3A_53 : vector<1x16xf32> to vector<16xf32>
      %gt3A_55 = arith.cmpf ogt, %get3A_54, %select_n3A_46 : vector<16xf32>
      %gt3A_56 = arith.cmpf ogt, %get3A_54, %select_n3A_43 : vector<16xf32>
      %select_n3A_57 = arith.select %gt3A_56, %get3A_54, %select_n3A_43 : vector<16xi1>, vector<16xf32>
      %select_n3A_58 = arith.select %gt3A_55, %select_n3A_46, %select_n3A_57 : vector<16xi1>, vector<16xf32>
      %select_n3A_59 = arith.select %gt3A_56, %broadcast_in_dim3A_49, %select_n3A_45 : vector<16xi1>, vector<16xi32>
      %select_n3A_60 = arith.select %gt3A_55, %select_n3A_47, %select_n3A_59 : vector<16xi1>, vector<16xi32>
      %select_n3A_61 = arith.select %gt3A_55, %get3A_54, %select_n3A_46 : vector<16xi1>, vector<16xf32>
      %select_n3A_62 = arith.select %gt3A_55, %broadcast_in_dim3A_49, %select_n3A_47 : vector<16xi1>, vector<16xi32>
      %broadcast_in_dim3A_63 = arith.constant 4 : i32
      %broadcast_in_dim3A_64 = vector.broadcast %broadcast_in_dim3A_63 : i32 to vector<16xi32>
      %get3A_65 = arith.constant 4 : i32
      %get3A_66 = arith.index_cast %get3A_65 : i32 to index
      %get3A_67 = arith.index_cast %mul3A_10 : i32 to index
      %get3A_68 = tpu.vector_load %arg5[%get3A_66, %get3A_67] {strides = array<i32>} : memref<16x512xf32, #tpu.memory_space<vmem>>, vector<1x16xf32>,
      %get3A_69 = vector.shape_cast %get3A_68 : vector<1x16xf32> to vector<16xf32>
      %gt3A_70 = arith.cmpf ogt, %get3A_69, %select_n3A_61 : vector<16xf32>
      %gt3A_71 = arith.cmpf ogt, %get3A_69, %select_n3A_58 : vector<16xf32>
      %select_n3A_72 = arith.select %gt3A_71, %get3A_69, %select_n3A_58 : vector<16xi1>, vector<16xf32>
      %select_n3A_73 = arith.select %gt3A_70, %select_n3A_61, %select_n3A_72 : vector<16xi1>, vector<16xf32>
      %select_n3A_74 = arith.select %gt3A_71, %broadcast_in_dim3A_64, %select_n3A_60 : vector<16xi1>, vector<16xi32>
      %select_n3A_75 = arith.select %gt3A_70, %select_n3A_62, %select_n3A_74 : vector<16xi1>, vector<16xi32>
      %select_n3A_76 = arith.select %gt3A_70, %get3A_69, %select_n3A_61 : vector<16xi1>, vector<16xf32>
      %select_n3A_77 = arith.select %gt3A_70, %broadcast_in_dim3A_64, %select_n3A_62 : vector<16xi1>, vector<16xi32>
      %broadcast_in_dim3A_78 = arith.constant 5 : i32
      %broadcast_in_dim3A_79 = vector.broadcast %broadcast_in_dim3A_78 : i32 to vector<16xi32>
      %get3A_80 = arith.constant 5 : i32
      %get3A_81 = arith.index_cast %get3A_80 : i32 to index
      %get3A_82 = arith.index_cast %mul3A_10 : i32 to index
      %get3A_83 = tpu.vector_load %arg5[%get3A_81, %get3A_82] {strides = array<i32>} : memref<16x512xf32, #tpu.memory_space<vmem>>, vector<1x16xf32>,
      %get3A_84 = vector.shape_cast %get3A_83 : vector<1x16xf32> to vector<16xf32>
      %gt3A_85 = arith.cmpf ogt, %get3A_84, %select_n3A_76 : vector<16xf32>
      %gt3A_86 = arith.cmpf ogt, %get3A_84, %select_n3A_73 : vector<16xf32>
      %select_n3A_87 = arith.select %gt3A_86, %get3A_84, %select_n3A_73 : vector<16xi1>, vector<16xf32>
      %select_n3A_88 = arith.select %gt3A_85, %select_n3A_76, %select_n3A_87 : vector<16xi1>, vector<16xf32>
      %select_n3A_89 = arith.select %gt3A_86, %broadcast_in_dim3A_79, %select_n3A_75 : vector<16xi1>, vector<16xi32>
      %select_n3A_90 = arith.select %gt3A_85, %select_n3A_77, %select_n3A_89 : vector<16xi1>, vector<16xi32>
      %select_n3A_91 = arith.select %gt3A_85, %get3A_84, %select_n3A_76 : vector<16xi1>, vector<16xf32>
      %select_n3A_92 = arith.select %gt3A_85, %broadcast_in_dim3A_79, %select_n3A_77 : vector<16xi1>, vector<16xi32>
      %broadcast_in_dim3A_93 = arith.constant 6 : i32
      %broadcast_in_dim3A_94 = vector.broadcast %broadcast_in_dim3A_93 : i32 to vector<16xi32>
      %get3A_95 = arith.constant 6 : i32
      %get3A_96 = arith.index_cast %get3A_95 : i32 to index
      %get3A_97 = arith.index_cast %mul3A_10 : i32 to index
      %get3A_98 = tpu.vector_load %arg5[%get3A_96, %get3A_97] {strides = array<i32>} : memref<16x512xf32, #tpu.memory_space<vmem>>, vector<1x16xf32>,
      %get3A_99 = vector.shape_cast %get3A_98 : vector<1x16xf32> to vector<16xf32>
      %gt3A_100 = arith.cmpf ogt, %get3A_99, %select_n3A_91 : vector<16xf32>
      %gt3A_101 = arith.cmpf ogt, %get3A_99, %select_n3A_88 : vector<16xf32>
      %select_n3A_102 = arith.select %gt3A_101, %get3A_99, %select_n3A_88 : vector<16xi1>, vector<16xf32>
      %select_n3A_103 = arith.select %gt3A_100, %select_n3A_91, %select_n3A_102 : vector<16xi1>, vector<16xf32>
      %select_n3A_104 = arith.select %gt3A_101, %broadcast_in_dim3A_94, %select_n3A_90 : vector<16xi1>, vector<16xi32>
      %select_n3A_105 = arith.select %gt3A_100, %select_n3A_92, %select_n3A_104 : vector<16xi1>, vector<16xi32>
      %select_n3A_106 = arith.select %gt3A_100, %get3A_99, %select_n3A_91 : vector<16xi1>, vector<16xf32>
      %select_n3A_107 = arith.select %gt3A_100, %broadcast_in_dim3A_94, %select_n3A_92 : vector<16xi1>, vector<16xi32>
      %broadcast_in_dim3A_108 = arith.constant 7 : i32
      %broadcast_in_dim3A_109 = vector.broadcast %broadcast_in_dim3A_108 : i32 to vector<16xi32>
      %get3A_110 = arith.constant 7 : i32
      %get3A_111 = arith.index_cast %get3A_110 : i32 to index
      %get3A_112 = arith.index_cast %mul3A_10 : i32 to index
      %get3A_113 = tpu.vector_load %arg5[%get3A_111, %get3A_112] {strides = array<i32>} : memref<16x512xf32, #tpu.memory_space<vmem>>, vector<1x16xf32>,
      %get3A_114 = vector.shape_cast %get3A_113 : vector<1x16xf32> to vector<16xf32>
      %gt3A_115 = arith.cmpf ogt, %get3A_114, %select_n3A_106 : vector<16xf32>
      %gt3A_116 = arith.cmpf ogt, %get3A_114, %select_n3A_103 : vector<16xf32>
      %select_n3A_117 = arith.select %gt3A_116, %get3A_114, %select_n3A_103 : vector<16xi1>, vector<16xf32>
      %select_n3A_118 = arith.select %gt3A_115, %select_n3A_106, %select_n3A_117 : vector<16xi1>, vector<16xf32>
      %select_n3A_119 = arith.select %gt3A_116, %broadcast_in_dim3A_109, %select_n3A_105 : vector<16xi1>, vector<16xi32>
      %select_n3A_120 = arith.select %gt3A_115, %select_n3A_107, %select_n3A_119 : vector<16xi1>, vector<16xi32>
      %select_n3A_121 = arith.select %gt3A_115, %get3A_114, %select_n3A_106 : vector<16xi1>, vector<16xf32>
      %select_n3A_122 = arith.select %gt3A_115, %broadcast_in_dim3A_109, %select_n3A_107 : vector<16xi1>, vector<16xi32>
      %broadcast_in_dim3A_123 = arith.constant 8 : i32
      %broadcast_in_dim3A_124 = vector.broadcast %broadcast_in_dim3A_123 : i32 to vector<16xi32>
      %get3A_125 = arith.constant 8 : i32
      %get3A_126 = arith.index_cast %get3A_125 : i32 to index
      %get3A_127 = arith.index_cast %mul3A_10 : i32 to index
      %get3A_128 = tpu.vector_load %arg5[%get3A_126, %get3A_127] {strides = array<i32>} : memref<16x512xf32, #tpu.memory_space<vmem>>, vector<1x16xf32>,
      %get3A_129 = vector.shape_cast %get3A_128 : vector<1x16xf32> to vector<16xf32>
      %gt3A_130 = arith.cmpf ogt, %get3A_129, %select_n3A_121 : vector<16xf32>
      %gt3A_131 = arith.cmpf ogt, %get3A_129, %select_n3A_118 : vector<16xf32>
      %select_n3A_132 = arith.select %gt3A_131, %get3A_129, %select_n3A_118 : vector<16xi1>, vector<16xf32>
      %select_n3A_133 = arith.select %gt3A_130, %select_n3A_121, %select_n3A_132 : vector<16xi1>, vector<16xf32>
      %select_n3A_134 = arith.select %gt3A_131, %broadcast_in_dim3A_124, %select_n3A_120 : vector<16xi1>, vector<16xi32>
      %select_n3A_135 = arith.select %gt3A_130, %select_n3A_122, %select_n3A_134 : vector<16xi1>, vector<16xi32>
      %select_n3A_136 = arith.select %gt3A_130, %get3A_129, %select_n3A_121 : vector<16xi1>, vector<16xf32>
      %select_n3A_137 = arith.select %gt3A_130, %broadcast_in_dim3A_124, %select_n3A_122 : vector<16xi1>, vector<16xi32>
      %broadcast_in_dim3A_138 = arith.constant 9 : i32
      %broadcast_in_dim3A_139 = vector.broadcast %broadcast_in_dim3A_138 : i32 to vector<16xi32>
      %get3A_140 = arith.constant 9 : i32
      %get3A_141 = arith.index_cast %get3A_140 : i32 to index
      %get3A_142 = arith.index_cast %mul3A_10 : i32 to index
      %get3A_143 = tpu.vector_load %arg5[%get3A_141, %get3A_142] {strides = array<i32>} : memref<16x512xf32, #tpu.memory_space<vmem>>, vector<1x16xf32>,
      %get3A_144 = vector.shape_cast %get3A_143 : vector<1x16xf32> to vector<16xf32>
      %gt3A_145 = arith.cmpf ogt, %get3A_144, %select_n3A_136 : vector<16xf32>
      %gt3A_146 = arith.cmpf ogt, %get3A_144, %select_n3A_133 : vector<16xf32>
      %select_n3A_147 = arith.select %gt3A_146, %get3A_144, %select_n3A_133 : vector<16xi1>, vector<16xf32>
      %select_n3A_148 = arith.select %gt3A_145, %select_n3A_136, %select_n3A_147 : vector<16xi1>, vector<16xf32>
      %select_n3A_149 = arith.select %gt3A_146, %broadcast_in_dim3A_139, %select_n3A_135 : vector<16xi1>, vector<16xi32>
      %select_n3A_150 = arith.select %gt3A_145, %select_n3A_137, %select_n3A_149 : vector<16xi1>, vector<16xi32>
      %select_n3A_151 = arith.select %gt3A_145, %get3A_144, %select_n3A_136 : vector<16xi1>, vector<16xf32>
      %select_n3A_152 = arith.select %gt3A_145, %broadcast_in_dim3A_139, %select_n3A_137 : vector<16xi1>, vector<16xi32>
      %broadcast_in_dim3A_153 = arith.constant 10 : i32
      %broadcast_in_dim3A_154 = vector.broadcast %broadcast_in_dim3A_153 : i32 to vector<16xi32>
      %get3A_155 = arith.constant 10 : i32
      %get3A_156 = arith.index_cast %get3A_155 : i32 to index
      %get3A_157 = arith.index_cast %mul3A_10 : i32 to index
      %get3A_158 = tpu.vector_load %arg5[%get3A_156, %get3A_157] {strides = array<i32>} : memref<16x512xf32, #tpu.memory_space<vmem>>, vector<1x16xf32>,
      %get3A_159 = vector.shape_cast %get3A_158 : vector<1x16xf32> to vector<16xf32>
      %gt3A_160 = arith.cmpf ogt, %get3A_159, %select_n3A_151 : vector<16xf32>
      %gt3A_161 = arith.cmpf ogt, %get3A_159, %select_n3A_148 : vector<16xf32>
      %select_n3A_162 = arith.select %gt3A_161, %get3A_159, %select_n3A_148 : vector<16xi1>, vector<16xf32>
      %select_n3A_163 = arith.select %gt3A_160, %select_n3A_151, %select_n3A_162 : vector<16xi1>, vector<16xf32>
      %select_n3A_164 = arith.select %gt3A_161, %broadcast_in_dim3A_154, %select_n3A_150 : vector<16xi1>, vector<16xi32>
      %select_n3A_165 = arith.select %gt3A_160, %select_n3A_152, %select_n3A_164 : vector<16xi1>, vector<16xi32>
      %select_n3A_166 = arith.select %gt3A_160, %get3A_159, %select_n3A_151 : vector<16xi1>, vector<16xf32>
      %select_n3A_167 = arith.select %gt3A_160, %broadcast_in_dim3A_154, %select_n3A_152 : vector<16xi1>, vector<16xi32>
      %broadcast_in_dim3A_168 = arith.constant 11 : i32
      %broadcast_in_dim3A_169 = vector.broadcast %broadcast_in_dim3A_168 : i32 to vector<16xi32>
      %get3A_170 = arith.constant 11 : i32
      %get3A_171 = arith.index_cast %get3A_170 : i32 to index
      %get3A_172 = arith.index_cast %mul3A_10 : i32 to index
      %get3A_173 = tpu.vector_load %arg5[%get3A_171, %get3A_172] {strides = array<i32>} : memref<16x512xf32, #tpu.memory_space<vmem>>, vector<1x16xf32>,
      %get3A_174 = vector.shape_cast %get3A_173 : vector<1x16xf32> to vector<16xf32>
      %gt3A_175 = arith.cmpf ogt, %get3A_174, %select_n3A_166 : vector<16xf32>
      %gt3A_176 = arith.cmpf ogt, %get3A_174, %select_n3A_163 : vector<16xf32>
      %select_n3A_177 = arith.select %gt3A_176, %get3A_174, %select_n3A_163 : vector<16xi1>, vector<16xf32>
      %select_n3A_178 = arith.select %gt3A_175, %select_n3A_166, %select_n3A_177 : vector<16xi1>, vector<16xf32>
      %select_n3A_179 = arith.select %gt3A_176, %broadcast_in_dim3A_169, %select_n3A_165 : vector<16xi1>, vector<16xi32>
      %select_n3A_180 = arith.select %gt3A_175, %select_n3A_167, %select_n3A_179 : vector<16xi1>, vector<16xi32>
      %select_n3A_181 = arith.select %gt3A_175, %get3A_174, %select_n3A_166 : vector<16xi1>, vector<16xf32>
      %select_n3A_182 = arith.select %gt3A_175, %broadcast_in_dim3A_169, %select_n3A_167 : vector<16xi1>, vector<16xi32>
      %broadcast_in_dim3A_183 = arith.constant 12 : i32
      %broadcast_in_dim3A_184 = vector.broadcast %broadcast_in_dim3A_183 : i32 to vector<16xi32>
      %get3A_185 = arith.constant 12 : i32
      %get3A_186 = arith.index_cast %get3A_185 : i32 to index
      %get3A_187 = arith.index_cast %mul3A_10 : i32 to index
      %get3A_188 = tpu.vector_load %arg5[%get3A_186, %get3A_187] {strides = array<i32>} : memref<16x512xf32, #tpu.memory_space<vmem>>, vector<1x16xf32>,
      %get3A_189 = vector.shape_cast %get3A_188 : vector<1x16xf32> to vector<16xf32>
      %gt3A_190 = arith.cmpf ogt, %get3A_189, %select_n3A_181 : vector<16xf32>
      %gt3A_191 = arith.cmpf ogt, %get3A_189, %select_n3A_178 : vector<16xf32>
      %select_n3A_192 = arith.select %gt3A_191, %get3A_189, %select_n3A_178 : vector<16xi1>, vector<16xf32>
      %select_n3A_193 = arith.select %gt3A_190, %select_n3A_181, %select_n3A_192 : vector<16xi1>, vector<16xf32>
      %select_n3A_194 = arith.select %gt3A_191, %broadcast_in_dim3A_184, %select_n3A_180 : vector<16xi1>, vector<16xi32>
      %select_n3A_195 = arith.select %gt3A_190, %select_n3A_182, %select_n3A_194 : vector<16xi1>, vector<16xi32>
      %select_n3A_196 = arith.select %gt3A_190, %get3A_189, %select_n3A_181 : vector<16xi1>, vector<16xf32>
      %select_n3A_197 = arith.select %gt3A_190, %broadcast_in_dim3A_184, %select_n3A_182 : vector<16xi1>, vector<16xi32>
      %broadcast_in_dim3A_198 = arith.constant 13 : i32
      %broadcast_in_dim3A_199 = vector.broadcast %broadcast_in_dim3A_198 : i32 to vector<16xi32>
      %get3A_200 = arith.constant 13 : i32
      %get3A_201 = arith.index_cast %get3A_200 : i32 to index
      %get3A_202 = arith.index_cast %mul3A_10 : i32 to index
      %get3A_203 = tpu.vector_load %arg5[%get3A_201, %get3A_202] {strides = array<i32>} : memref<16x512xf32, #tpu.memory_space<vmem>>, vector<1x16xf32>,
      %get3A_204 = vector.shape_cast %get3A_203 : vector<1x16xf32> to vector<16xf32>
      %gt3A_205 = arith.cmpf ogt, %get3A_204, %select_n3A_196 : vector<16xf32>
      %gt3A_206 = arith.cmpf ogt, %get3A_204, %select_n3A_193 : vector<16xf32>
      %select_n3A_207 = arith.select %gt3A_206, %get3A_204, %select_n3A_193 : vector<16xi1>, vector<16xf32>
      %select_n3A_208 = arith.select %gt3A_205, %select_n3A_196, %select_n3A_207 : vector<16xi1>, vector<16xf32>
      %select_n3A_209 = arith.select %gt3A_206, %broadcast_in_dim3A_199, %select_n3A_195 : vector<16xi1>, vector<16xi32>
      %select_n3A_210 = arith.select %gt3A_205, %select_n3A_197, %select_n3A_209 : vector<16xi1>, vector<16xi32>
      %select_n3A_211 = arith.select %gt3A_205, %get3A_204, %select_n3A_196 : vector<16xi1>, vector<16xf32>
      %select_n3A_212 = arith.select %gt3A_205, %broadcast_in_dim3A_199, %select_n3A_197 : vector<16xi1>, vector<16xi32>
      %broadcast_in_dim3A_213 = arith.constant 14 : i32
      %broadcast_in_dim3A_214 = vector.broadcast %broadcast_in_dim3A_213 : i32 to vector<16xi32>
      %get3A_215 = arith.constant 14 : i32
      %get3A_216 = arith.index_cast %get3A_215 : i32 to index
      %get3A_217 = arith.index_cast %mul3A_10 : i32 to index
      %get3A_218 = tpu.vector_load %arg5[%get3A_216, %get3A_217] {strides = array<i32>} : memref<16x512xf32, #tpu.memory_space<vmem>>, vector<1x16xf32>,
      %get3A_219 = vector.shape_cast %get3A_218 : vector<1x16xf32> to vector<16xf32>
      %gt3A_220 = arith.cmpf ogt, %get3A_219, %select_n3A_211 : vector<16xf32>
      %gt3A_221 = arith.cmpf ogt, %get3A_219, %select_n3A_208 : vector<16xf32>
      %select_n3A_222 = arith.select %gt3A_221, %get3A_219, %select_n3A_208 : vector<16xi1>, vector<16xf32>
      %select_n3A_223 = arith.select %gt3A_220, %select_n3A_211, %select_n3A_222 : vector<16xi1>, vector<16xf32>
      %select_n3A_224 = arith.select %gt3A_221, %broadcast_in_dim3A_214, %select_n3A_210 : vector<16xi1>, vector<16xi32>
      %select_n3A_225 = arith.select %gt3A_220, %select_n3A_212, %select_n3A_224 : vector<16xi1>, vector<16xi32>
      %select_n3A_226 = arith.select %gt3A_220, %get3A_219, %select_n3A_211 : vector<16xi1>, vector<16xf32>
      %select_n3A_227 = arith.select %gt3A_220, %broadcast_in_dim3A_214, %select_n3A_212 : vector<16xi1>, vector<16xi32>
      %broadcast_in_dim3A_228 = arith.constant 15 : i32
      %broadcast_in_dim3A_229 = vector.broadcast %broadcast_in_dim3A_228 : i32 to vector<16xi32>
      %get3A_230 = arith.constant 15 : i32
      %get3A_231 = arith.index_cast %get3A_230 : i32 to index
      %get3A_232 = arith.index_cast %mul3A_10 : i32 to index
      %get3A_233 = tpu.vector_load %arg5[%get3A_231, %get3A_232] {strides = array<i32>} : memref<16x512xf32, #tpu.memory_space<vmem>>, vector<1x16xf32>,
      %get3A_234 = vector.shape_cast %get3A_233 : vector<1x16xf32> to vector<16xf32>
      %gt3A_235 = arith.cmpf ogt, %get3A_234, %select_n3A_226 : vector<16xf32>
      %gt3A_236 = arith.cmpf ogt, %get3A_234, %select_n3A_223 : vector<16xf32>
      %select_n3A_237 = arith.select %gt3A_236, %get3A_234, %select_n3A_223 : vector<16xi1>, vector<16xf32>
      %select_n3A_238 = arith.select %gt3A_235, %select_n3A_226, %select_n3A_237 : vector<16xi1>, vector<16xf32>
      %select_n3A_239 = arith.select %gt3A_236, %broadcast_in_dim3A_229, %select_n3A_225 : vector<16xi1>, vector<16xi32>
      %select_n3A_240 = arith.select %gt3A_235, %select_n3A_227, %select_n3A_239 : vector<16xi1>, vector<16xi32>
      %select_n3A_241 = arith.select %gt3A_235, %get3A_234, %select_n3A_226 : vector<16xi1>, vector<16xf32>
      %select_n3A_242 = arith.select %gt3A_235, %broadcast_in_dim3A_229, %select_n3A_227 : vector<16xi1>, vector<16xi32>
      %sub3A = arith.subf %select_n3A_238, %select_n3A_241 : vector<16xf32>
      %exp3A = math.exp %sub3A : vector<16xf32>
      %add3A_243 = arith.constant 1.000000e+00 : f32
      %add3A_244 = vector.broadcast %add3A_243 : f32 to vector<16xf32>
      %add3A_245 = arith.addf %add3A_244, %exp3A : vector<16xf32>
      %div3A = arith.constant 1.000000e+00 : f32
      %div3A_246 = vector.broadcast %div3A : f32 to vector<16xf32>
      %div3A_247 = arith.divf %div3A_246, %add3A_245 : vector<16xf32>
      %swap3A = arith.constant 0 : i32
      %swap3A_248 = arith.index_cast %swap3A : i32 to index
      %swap3A_249 = arith.index_cast %mul3A_10 : i32 to index
      %swap3A_250 = tpu.vector_load %arg6[%swap3A_248, %swap3A_249] {strides = array<i32>} : memref<2x512xf32, #tpu.memory_space<vmem>>, vector<1x16xf32>,
      %swap3A_251 = vector.shape_cast %swap3A_250 : vector<1x16xf32> to vector<16xf32>
      %swap3A_252 = vector.shape_cast %div3A_247 : vector<16xf32> to vector<1x16xf32>
      tpu.vector_store %arg6[%swap3A_248, %swap3A_249], %swap3A_252 {strides = array<i32>} : memref<2x512xf32, #tpu.memory_space<vmem>>, vector<1x16xf32>,
      %div3A_253 = arith.divf %exp3A, %add3A_245 : vector<16xf32>
      %swap3A_254 = arith.constant 1 : i32
      %swap3A_255 = arith.index_cast %swap3A_254 : i32 to index
      %swap3A_256 = arith.index_cast %mul3A_10 : i32 to index
      %swap3A_257 = tpu.vector_load %arg6[%swap3A_255, %swap3A_256] {strides = array<i32>} : memref<2x512xf32, #tpu.memory_space<vmem>>, vector<1x16xf32>,
      %swap3A_258 = vector.shape_cast %swap3A_257 : vector<1x16xf32> to vector<16xf32>
      %swap3A_259 = vector.shape_cast %div3A_253 : vector<16xf32> to vector<1x16xf32>
      tpu.vector_store %arg6[%swap3A_255, %swap3A_256], %swap3A_259 {strides = array<i32>} : memref<2x512xf32, #tpu.memory_space<vmem>>, vector<1x16xf32>,
      %swap3A_260 = arith.constant 0 : i32
      %swap3A_261 = arith.index_cast %swap3A_260 : i32 to index
      %swap3A_262 = arith.index_cast %mul3A_10 : i32 to index
      %swap3A_263 = tpu.vector_load %arg7[%swap3A_261, %swap3A_262] {strides = array<i32>} : memref<2x512xi32, #tpu.memory_space<vmem>>, vector<1x16xi32>,
      %swap3A_264 = vector.shape_cast %swap3A_263 : vector<1x16xi32> to vector<16xi32>
      %swap3A_265 = vector.shape_cast %select_n3A_242 : vector<16xi32> to vector<1x16xi32>
      tpu.vector_store %arg7[%swap3A_261, %swap3A_262], %swap3A_265 {strides = array<i32>} : memref<2x512xi32, #tpu.memory_space<vmem>>, vector<1x16xi32>,
      %swap3A_266 = arith.constant 1 : i32
      %swap3A_267 = arith.index_cast %swap3A_266 : i32 to index
      %swap3A_268 = arith.index_cast %mul3A_10 : i32 to index
      %swap3A_269 = tpu.vector_load %arg7[%swap3A_267, %swap3A_268] {strides = array<i32>} : memref<2x512xi32, #tpu.memory_space<vmem>>, vector<1x16xi32>,
      %swap3A_270 = vector.shape_cast %swap3A_269 : vector<1x16xi32> to vector<16xi32>
      %swap3A_271 = vector.shape_cast %select_n3A_240 : vector<16xi32> to vector<1x16xi32>
      tpu.vector_store %arg7[%swap3A_267, %swap3A_268], %swap3A_271 {strides = array<i32>} : memref<2x512xi32, #tpu.memory_space<vmem>>, vector<1x16xi32>,
    }
    %scan3A_7 = arith.constant 32 : i32
    "tpu.region"() ({
      %run_scoped3A = tpu.sem_alloc : memref<!tpu.dma_semaphore, #tpu.memory_space<semaphore_mem>>
      %dma_start3A = arith.constant 0 : i32
      %dma_start3A_8 = tpu.memref_slice %arg3[%dma_start3A, %mul3A_2] : memref<2x16384xf32, #tpu.memory_space<hbm>> -> memref<2x512xf32, #tpu.memory_space<hbm>>
      %dma_start3A_9 = arith.constant 0 : i32
      %dma_start3A_10 = tpu.memref_slice %arg3[%dma_start3A_9, %mul3A_2] : memref<2x16384xf32, #tpu.memory_space<hbm>> -> memref<2x512xf32, #tpu.memory_space<hbm>>
      tpu.enqueue_dma source(%arg6 : memref<2x512xf32, #tpu.memory_space<vmem>>) target(%dma_start3A_10 : memref<2x512xf32, #tpu.memory_space<hbm>>) target_semaphore(%run_scoped3A : memref<!tpu.dma_semaphore, #tpu.memory_space<semaphore_mem>>)
      %dma_wait3A = arith.constant 0 : i32
      %dma_wait3A_11 = tpu.memref_slice %arg3[%dma_wait3A, %mul3A_2] : memref<2x16384xf32, #tpu.memory_space<hbm>> -> memref<2x512xf32, #tpu.memory_space<hbm>>
      %dma_wait3A_12 = arith.constant 0 : i32
      %dma_wait3A_13 = tpu.memref_slice %arg3[%dma_wait3A_12, %mul3A_2] : memref<2x16384xf32, #tpu.memory_space<hbm>> -> memref<2x512xf32, #tpu.memory_space<hbm>>
      tpu.wait_dma2 semaphore(%run_scoped3A : memref<!tpu.dma_semaphore, #tpu.memory_space<semaphore_mem>>) src(%arg6 : memref<2x512xf32, #tpu.memory_space<vmem>>) dst(%dma_wait3A_13 : memref<2x512xf32, #tpu.memory_space<hbm>>)
      tpu.yield
    }) : () -> ()
    "tpu.region"() ({
      %run_scoped3A = tpu.sem_alloc : memref<!tpu.dma_semaphore, #tpu.memory_space<semaphore_mem>>
      %dma_start3A = arith.constant 0 : i32
      %dma_start3A_8 = tpu.memref_slice %arg4[%dma_start3A, %mul3A_2] : memref<2x16384xi32, #tpu.memory_space<hbm>> -> memref<2x512xi32, #tpu.memory_space<hbm>>
      %dma_start3A_9 = arith.constant 0 : i32
      %dma_start3A_10 = tpu.memref_slice %arg4[%dma_start3A_9, %mul3A_2] : memref<2x16384xi32, #tpu.memory_space<hbm>> -> memref<2x512xi32, #tpu.memory_space<hbm>>
      tpu.enqueue_dma source(%arg7 : memref<2x512xi32, #tpu.memory_space<vmem>>) target(%dma_start3A_10 : memref<2x512xi32, #tpu.memory_space<hbm>>) target_semaphore(%run_scoped3A : memref<!tpu.dma_semaphore, #tpu.memory_space<semaphore_mem>>)
      %dma_wait3A = arith.constant 0 : i32
      %dma_wait3A_11 = tpu.memref_slice %arg4[%dma_wait3A, %mul3A_2] : memref<2x16384xi32, #tpu.memory_space<hbm>> -> memref<2x512xi32, #tpu.memory_space<hbm>>
      %dma_wait3A_12 = arith.constant 0 : i32
      %dma_wait3A_13 = tpu.memref_slice %arg4[%dma_wait3A_12, %mul3A_2] : memref<2x16384xi32, #tpu.memory_space<hbm>> -> memref<2x512xi32, #tpu.memory_space<hbm>>
      tpu.wait_dma2 semaphore(%run_scoped3A : memref<!tpu.dma_semaphore, #tpu.memory_space<semaphore_mem>>) src(%arg7 : memref<2x512xi32, #tpu.memory_space<vmem>>) dst(%dma_wait3A_13 : memref<2x512xi32, #tpu.memory_space<hbm>>)
      tpu.yield
    }) : () -> ()
    return
  }
}

module attributes {stable_mosaic.version = 14 : i64} {
  func.func @body(%arg0: memref<16384x2048xf32, #tpu.memory_space<any>>, %arg1: memref<2048x16xf32, #tpu.memory_space<any>>, %arg2: memref<16384x16xf32, #tpu.memory_space<any>>, %arg3: memref<16x16384xf32, #tpu.memory_space<any>>, %arg4: memref<2048x16xf32, #tpu.memory_space<vmem>>, %arg5: memref<4x512x2048xf32, #tpu.memory_space<vmem>>, %arg6: memref<2x512x16xf32, #tpu.memory_space<vmem>>, %arg7: memref<2x16x512xf32, #tpu.memory_space<vmem>>, %arg8: memref<4x!tpu.dma_semaphore, #tpu.memory_space<semaphore_mem>>, %arg9: memref<2x2x!tpu.dma_semaphore, #tpu.memory_space<semaphore_mem>>, %arg10: memref<!tpu.dma_semaphore, #tpu.memory_space<semaphore_mem>>) attributes {dimension_semantics = [], scalar_prefetch = 0 : i64, scratch_operands = 7 : i64, tpu.core_type = #tpu.core_type<tc>} {
    tpu.enqueue_dma source(%arg1 : memref<2048x16xf32, #tpu.memory_space<any>>) target(%arg4 : memref<2048x16xf32, #tpu.memory_space<vmem>>) target_semaphore(%arg10 : memref<!tpu.dma_semaphore, #tpu.memory_space<semaphore_mem>>)
    tpu.wait_dma2 semaphore(%arg10 : memref<!tpu.dma_semaphore, #tpu.memory_space<semaphore_mem>>) src(%arg1 : memref<2048x16xf32, #tpu.memory_space<any>>) dst(%arg4 : memref<2048x16xf32, #tpu.memory_space<vmem>>)
    %dma_start3A = arith.constant 0 : i32
    %dma_start3A_0 = arith.constant 0 : i32
    %dma_start3A_1 = tpu.memref_slice %arg8[%dma_start3A_0] : memref<4x!tpu.dma_semaphore, #tpu.memory_space<semaphore_mem>> -> memref<1x!tpu.dma_semaphore, #tpu.memory_space<semaphore_mem>>
    %dma_start3A_2 = tpu.memref_squeeze %dma_start3A_1 : memref<1x!tpu.dma_semaphore, #tpu.memory_space<semaphore_mem>> -> memref<!tpu.dma_semaphore, #tpu.memory_space<semaphore_mem>>
    %dma_start3A_3 = arith.constant 0 : i32
    %dma_start3A_4 = arith.constant 0 : i32
    %dma_start3A_5 = tpu.memref_slice %arg5[%dma_start3A, %dma_start3A_3, %dma_start3A_4] : memref<4x512x2048xf32, #tpu.memory_space<vmem>> -> memref<1x512x2048xf32, #tpu.memory_space<vmem>>
    %dma_start3A_6 = tpu.memref_squeeze %dma_start3A_5 : memref<1x512x2048xf32, #tpu.memory_space<vmem>> -> memref<512x2048xf32, #tpu.memory_space<vmem>>
    %dma_start3A_7 = arith.constant 0 : i32
    %dma_start3A_8 = arith.constant 0 : i32
    %dma_start3A_9 = tpu.memref_slice %arg0[%dma_start3A_7, %dma_start3A_8] : memref<16384x2048xf32, #tpu.memory_space<any>> -> memref<512x2048xf32, #tpu.memory_space<any>>
    tpu.enqueue_dma source(%dma_start3A_9 : memref<512x2048xf32, #tpu.memory_space<any>>) target(%dma_start3A_6 : memref<512x2048xf32, #tpu.memory_space<vmem>>) target_semaphore(%dma_start3A_2 : memref<!tpu.dma_semaphore, #tpu.memory_space<semaphore_mem>>)
    %dma_start3A_10 = arith.constant 1 : i32
    %dma_start3A_11 = arith.constant 1 : i32
    %dma_start3A_12 = tpu.memref_slice %arg8[%dma_start3A_11] : memref<4x!tpu.dma_semaphore, #tpu.memory_space<semaphore_mem>> -> memref<1x!tpu.dma_semaphore, #tpu.memory_space<semaphore_mem>>
    %dma_start3A_13 = tpu.memref_squeeze %dma_start3A_12 : memref<1x!tpu.dma_semaphore, #tpu.memory_space<semaphore_mem>> -> memref<!tpu.dma_semaphore, #tpu.memory_space<semaphore_mem>>
    %dma_start3A_14 = arith.constant 0 : i32
    %dma_start3A_15 = arith.constant 0 : i32
    %dma_start3A_16 = tpu.memref_slice %arg5[%dma_start3A_10, %dma_start3A_14, %dma_start3A_15] : memref<4x512x2048xf32, #tpu.memory_space<vmem>> -> memref<1x512x2048xf32, #tpu.memory_space<vmem>>
    %dma_start3A_17 = tpu.memref_squeeze %dma_start3A_16 : memref<1x512x2048xf32, #tpu.memory_space<vmem>> -> memref<512x2048xf32, #tpu.memory_space<vmem>>
    %dma_start3A_18 = arith.constant 512 : i32
    %dma_start3A_19 = arith.constant 0 : i32
    %dma_start3A_20 = tpu.memref_slice %arg0[%dma_start3A_18, %dma_start3A_19] : memref<16384x2048xf32, #tpu.memory_space<any>> -> memref<512x2048xf32, #tpu.memory_space<any>>
    tpu.enqueue_dma source(%dma_start3A_20 : memref<512x2048xf32, #tpu.memory_space<any>>) target(%dma_start3A_17 : memref<512x2048xf32, #tpu.memory_space<vmem>>) target_semaphore(%dma_start3A_13 : memref<!tpu.dma_semaphore, #tpu.memory_space<semaphore_mem>>)
    %dma_start3A_21 = arith.constant 2 : i32
    %dma_start3A_22 = arith.constant 2 : i32
    %dma_start3A_23 = tpu.memref_slice %arg8[%dma_start3A_22] : memref<4x!tpu.dma_semaphore, #tpu.memory_space<semaphore_mem>> -> memref<1x!tpu.dma_semaphore, #tpu.memory_space<semaphore_mem>>
    %dma_start3A_24 = tpu.memref_squeeze %dma_start3A_23 : memref<1x!tpu.dma_semaphore, #tpu.memory_space<semaphore_mem>> -> memref<!tpu.dma_semaphore, #tpu.memory_space<semaphore_mem>>
    %dma_start3A_25 = arith.constant 0 : i32
    %dma_start3A_26 = arith.constant 0 : i32
    %dma_start3A_27 = tpu.memref_slice %arg5[%dma_start3A_21, %dma_start3A_25, %dma_start3A_26] : memref<4x512x2048xf32, #tpu.memory_space<vmem>> -> memref<1x512x2048xf32, #tpu.memory_space<vmem>>
    %dma_start3A_28 = tpu.memref_squeeze %dma_start3A_27 : memref<1x512x2048xf32, #tpu.memory_space<vmem>> -> memref<512x2048xf32, #tpu.memory_space<vmem>>
    %dma_start3A_29 = arith.constant 1024 : i32
    %dma_start3A_30 = arith.constant 0 : i32
    %dma_start3A_31 = tpu.memref_slice %arg0[%dma_start3A_29, %dma_start3A_30] : memref<16384x2048xf32, #tpu.memory_space<any>> -> memref<512x2048xf32, #tpu.memory_space<any>>
    tpu.enqueue_dma source(%dma_start3A_31 : memref<512x2048xf32, #tpu.memory_space<any>>) target(%dma_start3A_28 : memref<512x2048xf32, #tpu.memory_space<vmem>>) target_semaphore(%dma_start3A_24 : memref<!tpu.dma_semaphore, #tpu.memory_space<semaphore_mem>>)
    %dma_start3A_32 = arith.constant 3 : i32
    %dma_start3A_33 = arith.constant 3 : i32
    %dma_start3A_34 = tpu.memref_slice %arg8[%dma_start3A_33] : memref<4x!tpu.dma_semaphore, #tpu.memory_space<semaphore_mem>> -> memref<1x!tpu.dma_semaphore, #tpu.memory_space<semaphore_mem>>
    %dma_start3A_35 = tpu.memref_squeeze %dma_start3A_34 : memref<1x!tpu.dma_semaphore, #tpu.memory_space<semaphore_mem>> -> memref<!tpu.dma_semaphore, #tpu.memory_space<semaphore_mem>>
    %dma_start3A_36 = arith.constant 0 : i32
    %dma_start3A_37 = arith.constant 0 : i32
    %dma_start3A_38 = tpu.memref_slice %arg5[%dma_start3A_32, %dma_start3A_36, %dma_start3A_37] : memref<4x512x2048xf32, #tpu.memory_space<vmem>> -> memref<1x512x2048xf32, #tpu.memory_space<vmem>>
    %dma_start3A_39 = tpu.memref_squeeze %dma_start3A_38 : memref<1x512x2048xf32, #tpu.memory_space<vmem>> -> memref<512x2048xf32, #tpu.memory_space<vmem>>
    %dma_start3A_40 = arith.constant 1536 : i32
    %dma_start3A_41 = arith.constant 0 : i32
    %dma_start3A_42 = tpu.memref_slice %arg0[%dma_start3A_40, %dma_start3A_41] : memref<16384x2048xf32, #tpu.memory_space<any>> -> memref<512x2048xf32, #tpu.memory_space<any>>
    tpu.enqueue_dma source(%dma_start3A_42 : memref<512x2048xf32, #tpu.memory_space<any>>) target(%dma_start3A_39 : memref<512x2048xf32, #tpu.memory_space<vmem>>) target_semaphore(%dma_start3A_35 : memref<!tpu.dma_semaphore, #tpu.memory_space<semaphore_mem>>)
    %scan3A = arith.constant 0 : i32
    %scan3A_43 = arith.constant 32 : i32
    %scan3A_44 = arith.addi %scan3A, %scan3A_43 : i32
    %scan3A_45 = arith.constant 1 : i32
    scf.for %scan3A_94 = %scan3A to %scan3A_44 step %scan3A_45  : i32 {
      %rem3A = arith.constant 4 : i32
      %rem3A_95 = arith.remsi %scan3A_94, %rem3A : i32
      %eq3A = arith.constant 0 : i32
      %eq3A_96 = arith.cmpi eq, %rem3A_95, %eq3A : i32
      %convert_element_type3A = arith.extui %eq3A_96 : i1 to i32
      %cond3A = arith.constant 0 : i32
      %cond3A_97 = arith.cmpi ne, %convert_element_type3A, %cond3A : i32
      scf.if %cond3A_97 {
        %add3A = arith.constant 0 : i32
        %add3A_119 = arith.addi %add3A, %scan3A_94 : i32
        %mul3A = arith.constant 512 : i32
        %mul3A_120 = arith.muli %add3A_119, %mul3A : i32
        %dma_wait3A_121 = arith.constant 0 : i32
        %dma_wait3A_122 = arith.constant 0 : i32
        %dma_wait3A_123 = tpu.memref_slice %arg8[%dma_wait3A_122] : memref<4x!tpu.dma_semaphore, #tpu.memory_space<semaphore_mem>> -> memref<1x!tpu.dma_semaphore, #tpu.memory_space<semaphore_mem>>
        %dma_wait3A_124 = tpu.memref_squeeze %dma_wait3A_123 : memref<1x!tpu.dma_semaphore, #tpu.memory_space<semaphore_mem>> -> memref<!tpu.dma_semaphore, #tpu.memory_space<semaphore_mem>>
        %dma_wait3A_125 = arith.constant 0 : i32
        %dma_wait3A_126 = arith.constant 0 : i32
        %dma_wait3A_127 = tpu.memref_slice %arg5[%dma_wait3A_121, %dma_wait3A_125, %dma_wait3A_126] : memref<4x512x2048xf32, #tpu.memory_space<vmem>> -> memref<1x512x2048xf32, #tpu.memory_space<vmem>>
        %dma_wait3A_128 = tpu.memref_squeeze %dma_wait3A_127 : memref<1x512x2048xf32, #tpu.memory_space<vmem>> -> memref<512x2048xf32, #tpu.memory_space<vmem>>
        %dma_wait3A_129 = arith.constant 0 : i32
        %dma_wait3A_130 = tpu.memref_slice %arg0[%mul3A_120, %dma_wait3A_129] : memref<16384x2048xf32, #tpu.memory_space<any>> -> memref<512x2048xf32, #tpu.memory_space<any>>
        tpu.wait_dma2 semaphore(%dma_wait3A_124 : memref<!tpu.dma_semaphore, #tpu.memory_space<semaphore_mem>>) src(%dma_wait3A_130 : memref<512x2048xf32, #tpu.memory_space<any>>) dst(%dma_wait3A_128 : memref<512x2048xf32, #tpu.memory_space<vmem>>)
        %get3A = arith.constant 0 : index
        %get3A_131 = arith.constant 0 : index
        %get3A_132 = arith.constant 0 : index
        %get3A_133 = vector.load %arg5[%get3A, %get3A_131, %get3A_132] : memref<4x512x2048xf32, #tpu.memory_space<vmem>>, vector<1x512x2048xf32>
        %get3A_134 = vector.shape_cast %get3A_133 : vector<1x512x2048xf32> to vector<512x2048xf32>
        %get3A_135 = arith.constant 0 : index
        %get3A_136 = arith.constant 0 : index
        %get3A_137 = vector.load %arg4[%get3A_135, %get3A_136] : memref<2048x16xf32, #tpu.memory_space<vmem>>, vector<2048x16xf32>
        %dot_general3A = arith.constant dense<0.000000e+00> : vector<512x16xf32>
        %dot_general3A_138 = tpu.matmul %get3A_134, %get3A_137, %dot_general3A {dimension_numbers = #tpu.dot_dimension_numbers<[1], [0], [0], [1], [0, 0, 1, 1], [], []>, transpose_lhs_hint = false} : vector<512x2048xf32>, vector<2048x16xf32>, vector<512x16xf32> -> vector<512x16xf32>
        %jit3A = arith.constant -5.000000e+01 : f32
        %jit3A_139 = arith.constant 5.000000e+01 : f32
        %max3A = vector.broadcast %jit3A : f32 to vector<512x16xf32>
        %max3A_140 = arith.maximumf %max3A, %dot_general3A_138 : vector<512x16xf32>
        %min3A = vector.broadcast %jit3A_139 : f32 to vector<512x16xf32>
        %min3A_141 = arith.minimumf %min3A, %max3A_140 : vector<512x16xf32>
        %rem3A_142 = arith.constant 2 : i32
        %rem3A_143 = arith.remsi %scan3A_94, %rem3A_142 : i32
        %eq3A_144 = arith.constant 0 : i32
        %eq3A_145 = arith.cmpi eq, %rem3A_143, %eq3A_144 : i32
        %convert_element_type3A_146 = arith.extui %eq3A_145 : i1 to i32
        %cond3A_147 = arith.constant 0 : i32
        %cond3A_148 = arith.cmpi ne, %convert_element_type3A_146, %cond3A_147 : i32
        scf.if %cond3A_148 {
          %ge3A = arith.constant 2 : i32
          %ge3A_162 = arith.cmpi sge, %scan3A_94, %ge3A : i32
          %convert_element_type3A_163 = arith.extui %ge3A_162 : i1 to i32
          %cond3A_164 = arith.constant 0 : i32
          %cond3A_165 = arith.cmpi ne, %convert_element_type3A_163, %cond3A_164 : i32
          scf.if %cond3A_165 {
            %sub3A = arith.constant 2 : i32
            %sub3A_203 = arith.subi %scan3A_94, %sub3A : i32
            %mul3A_204 = arith.constant 512 : i32
            %mul3A_205 = arith.muli %sub3A_203, %mul3A_204 : i32
            %dma_wait3A_206 = arith.constant 0 : i32
            %dma_wait3A_207 = arith.constant 0 : i32
            %dma_wait3A_208 = arith.constant 0 : i32
            %dma_wait3A_209 = tpu.memref_slice %arg9[%dma_wait3A_207, %dma_wait3A_208] : memref<2x2x!tpu.dma_semaphore, #tpu.memory_space<semaphore_mem>> -> memref<1x1x!tpu.dma_semaphore, #tpu.memory_space<semaphore_mem>>
            %dma_wait3A_210 = tpu.memref_squeeze %dma_wait3A_209 : memref<1x1x!tpu.dma_semaphore, #tpu.memory_space<semaphore_mem>> -> memref<!tpu.dma_semaphore, #tpu.memory_space<semaphore_mem>>
            %dma_wait3A_211 = arith.constant 0 : i32
            %dma_wait3A_212 = tpu.memref_slice %arg2[%mul3A_205, %dma_wait3A_211] : memref<16384x16xf32, #tpu.memory_space<any>> -> memref<512x16xf32, #tpu.memory_space<any>>
            %dma_wait3A_213 = arith.constant 0 : i32
            %dma_wait3A_214 = arith.constant 0 : i32
            %dma_wait3A_215 = tpu.memref_slice %arg6[%dma_wait3A_206, %dma_wait3A_213, %dma_wait3A_214] : memref<2x512x16xf32, #tpu.memory_space<vmem>> -> memref<1x512x16xf32, #tpu.memory_space<vmem>>
            %dma_wait3A_216 = tpu.memref_squeeze %dma_wait3A_215 : memref<1x512x16xf32, #tpu.memory_space<vmem>> -> memref<512x16xf32, #tpu.memory_space<vmem>>
            tpu.wait_dma2 semaphore(%dma_wait3A_210 : memref<!tpu.dma_semaphore, #tpu.memory_space<semaphore_mem>>) src(%dma_wait3A_216 : memref<512x16xf32, #tpu.memory_space<vmem>>) dst(%dma_wait3A_212 : memref<512x16xf32, #tpu.memory_space<any>>)
            %sub3A_217 = arith.constant 2 : i32
            %sub3A_218 = arith.subi %scan3A_94, %sub3A_217 : i32
            %mul3A_219 = arith.constant 512 : i32
            %mul3A_220 = arith.muli %sub3A_218, %mul3A_219 : i32
            %dma_wait3A_221 = arith.constant 0 : i32
            %dma_wait3A_222 = arith.constant 0 : i32
            %dma_wait3A_223 = arith.constant 1 : i32
            %dma_wait3A_224 = tpu.memref_slice %arg9[%dma_wait3A_222, %dma_wait3A_223] : memref<2x2x!tpu.dma_semaphore, #tpu.memory_space<semaphore_mem>> -> memref<1x1x!tpu.dma_semaphore, #tpu.memory_space<semaphore_mem>>
            %dma_wait3A_225 = tpu.memref_squeeze %dma_wait3A_224 : memref<1x1x!tpu.dma_semaphore, #tpu.memory_space<semaphore_mem>> -> memref<!tpu.dma_semaphore, #tpu.memory_space<semaphore_mem>>
            %dma_wait3A_226 = arith.constant 0 : i32
            %dma_wait3A_227 = tpu.memref_slice %arg3[%dma_wait3A_226, %mul3A_220] : memref<16x16384xf32, #tpu.memory_space<any>> -> memref<16x512xf32, #tpu.memory_space<any>>
            %dma_wait3A_228 = arith.constant 0 : i32
            %dma_wait3A_229 = arith.constant 0 : i32
            %dma_wait3A_230 = tpu.memref_slice %arg7[%dma_wait3A_221, %dma_wait3A_228, %dma_wait3A_229] : memref<2x16x512xf32, #tpu.memory_space<vmem>> -> memref<1x16x512xf32, #tpu.memory_space<vmem>>
            %dma_wait3A_231 = tpu.memref_squeeze %dma_wait3A_230 : memref<1x16x512xf32, #tpu.memory_space<vmem>> -> memref<16x512xf32, #tpu.memory_space<vmem>>
            tpu.wait_dma2 semaphore(%dma_wait3A_225 : memref<!tpu.dma_semaphore, #tpu.memory_space<semaphore_mem>>) src(%dma_wait3A_231 : memref<16x512xf32, #tpu.memory_space<vmem>>) dst(%dma_wait3A_227 : memref<16x512xf32, #tpu.memory_space<any>>)
          } else {
          }
          %swap3A = arith.constant 0 : index
          %swap3A_166 = arith.constant 0 : index
          %swap3A_167 = arith.constant 0 : index
          %swap3A_168 = vector.load %arg6[%swap3A, %swap3A_166, %swap3A_167] : memref<2x512x16xf32, #tpu.memory_space<vmem>>, vector<1x512x16xf32>
          %swap3A_169 = vector.shape_cast %swap3A_168 : vector<1x512x16xf32> to vector<512x16xf32>
          %swap3A_170 = vector.shape_cast %min3A_141 : vector<512x16xf32> to vector<1x512x16xf32>
          tpu.vector_store %arg6[%swap3A, %swap3A_166, %swap3A_167], %swap3A_170 {strides = array<i32>} : memref<2x512x16xf32, #tpu.memory_space<vmem>>, vector<1x512x16xf32>,
          %transpose3A = tpu.transpose %min3A_141, [1, 0] : vector<512x16xf32> -> vector<16x512xf32>
          %swap3A_171 = arith.constant 0 : index
          %swap3A_172 = arith.constant 0 : index
          %swap3A_173 = arith.constant 0 : index
          %swap3A_174 = vector.load %arg7[%swap3A_171, %swap3A_172, %swap3A_173] : memref<2x16x512xf32, #tpu.memory_space<vmem>>, vector<1x16x512xf32>
          %swap3A_175 = vector.shape_cast %swap3A_174 : vector<1x16x512xf32> to vector<16x512xf32>
          %swap3A_176 = vector.shape_cast %transpose3A : vector<16x512xf32> to vector<1x16x512xf32>
          tpu.vector_store %arg7[%swap3A_171, %swap3A_172, %swap3A_173], %swap3A_176 {strides = array<i32>} : memref<2x16x512xf32, #tpu.memory_space<vmem>>, vector<1x16x512xf32>,
          %mul3A_177 = arith.constant 512 : i32
          %mul3A_178 = arith.muli %scan3A_94, %mul3A_177 : i32
          %dma_start3A_179 = arith.constant 0 : i32
          %dma_start3A_180 = arith.constant 0 : i32
          %dma_start3A_181 = arith.constant 0 : i32
          %dma_start3A_182 = tpu.memref_slice %arg9[%dma_start3A_180, %dma_start3A_181] : memref<2x2x!tpu.dma_semaphore, #tpu.memory_space<semaphore_mem>> -> memref<1x1x!tpu.dma_semaphore, #tpu.memory_space<semaphore_mem>>
          %dma_start3A_183 = tpu.memref_squeeze %dma_start3A_182 : memref<1x1x!tpu.dma_semaphore, #tpu.memory_space<semaphore_mem>> -> memref<!tpu.dma_semaphore, #tpu.memory_space<semaphore_mem>>
          %dma_start3A_184 = arith.constant 0 : i32
          %dma_start3A_185 = tpu.memref_slice %arg2[%mul3A_178, %dma_start3A_184] : memref<16384x16xf32, #tpu.memory_space<any>> -> memref<512x16xf32, #tpu.memory_space<any>>
          %dma_start3A_186 = arith.constant 0 : i32
          %dma_start3A_187 = arith.constant 0 : i32
          %dma_start3A_188 = tpu.memref_slice %arg6[%dma_start3A_179, %dma_start3A_186, %dma_start3A_187] : memref<2x512x16xf32, #tpu.memory_space<vmem>> -> memref<1x512x16xf32, #tpu.memory_space<vmem>>
          %dma_start3A_189 = tpu.memref_squeeze %dma_start3A_188 : memref<1x512x16xf32, #tpu.memory_space<vmem>> -> memref<512x16xf32, #tpu.memory_space<vmem>>
          tpu.enqueue_dma source(%dma_start3A_189 : memref<512x16xf32, #tpu.memory_space<vmem>>) target(%dma_start3A_185 : memref<512x16xf32, #tpu.memory_space<any>>) target_semaphore(%dma_start3A_183 : memref<!tpu.dma_semaphore, #tpu.memory_space<semaphore_mem>>)
          %mul3A_190 = arith.constant 512 : i32
          %mul3A_191 = arith.muli %scan3A_94, %mul3A_190 : i32
          %dma_start3A_192 = arith.constant 0 : i32
          %dma_start3A_193 = arith.constant 0 : i32
          %dma_start3A_194 = arith.constant 1 : i32
          %dma_start3A_195 = tpu.memref_slice %arg9[%dma_start3A_193, %dma_start3A_194] : memref<2x2x!tpu.dma_semaphore, #tpu.memory_space<semaphore_mem>> -> memref<1x1x!tpu.dma_semaphore, #tpu.memory_space<semaphore_mem>>
          %dma_start3A_196 = tpu.memref_squeeze %dma_start3A_195 : memref<1x1x!tpu.dma_semaphore, #tpu.memory_space<semaphore_mem>> -> memref<!tpu.dma_semaphore, #tpu.memory_space<semaphore_mem>>
          %dma_start3A_197 = arith.constant 0 : i32
          %dma_start3A_198 = tpu.memref_slice %arg3[%dma_start3A_197, %mul3A_191] : memref<16x16384xf32, #tpu.memory_space<any>> -> memref<16x512xf32, #tpu.memory_space<any>>
          %dma_start3A_199 = arith.constant 0 : i32
          %dma_start3A_200 = arith.constant 0 : i32
          %dma_start3A_201 = tpu.memref_slice %arg7[%dma_start3A_192, %dma_start3A_199, %dma_start3A_200] : memref<2x16x512xf32, #tpu.memory_space<vmem>> -> memref<1x16x512xf32, #tpu.memory_space<vmem>>
          %dma_start3A_202 = tpu.memref_squeeze %dma_start3A_201 : memref<1x16x512xf32, #tpu.memory_space<vmem>> -> memref<16x512xf32, #tpu.memory_space<vmem>>
          tpu.enqueue_dma source(%dma_start3A_202 : memref<16x512xf32, #tpu.memory_space<vmem>>) target(%dma_start3A_198 : memref<16x512xf32, #tpu.memory_space<any>>) target_semaphore(%dma_start3A_196 : memref<!tpu.dma_semaphore, #tpu.memory_space<semaphore_mem>>)
        } else {
        }
        %rem3A_149 = arith.constant 2 : i32
        %rem3A_150 = arith.remsi %scan3A_94, %rem3A_149 : i32
        %eq3A_151 = arith.constant 1 : i32
        %eq3A_152 = arith.cmpi eq, %rem3A_150, %eq3A_151 : i32
        %convert_element_type3A_153 = arith.extui %eq3A_152 : i1 to i32
        %cond3A_154 = arith.constant 0 : i32
        %cond3A_155 = arith.cmpi ne, %convert_element_type3A_153, %cond3A_154 : i32
        scf.if %cond3A_155 {
          %ge3A = arith.constant 2 : i32
          %ge3A_162 = arith.cmpi sge, %scan3A_94, %ge3A : i32
          %convert_element_type3A_163 = arith.extui %ge3A_162 : i1 to i32
          %cond3A_164 = arith.constant 0 : i32
          %cond3A_165 = arith.cmpi ne, %convert_element_type3A_163, %cond3A_164 : i32
          scf.if %cond3A_165 {
            %sub3A = arith.constant 2 : i32
            %sub3A_203 = arith.subi %scan3A_94, %sub3A : i32
            %mul3A_204 = arith.constant 512 : i32
            %mul3A_205 = arith.muli %sub3A_203, %mul3A_204 : i32
            %dma_wait3A_206 = arith.constant 1 : i32
            %dma_wait3A_207 = arith.constant 1 : i32
            %dma_wait3A_208 = arith.constant 0 : i32
            %dma_wait3A_209 = tpu.memref_slice %arg9[%dma_wait3A_207, %dma_wait3A_208] : memref<2x2x!tpu.dma_semaphore, #tpu.memory_space<semaphore_mem>> -> memref<1x1x!tpu.dma_semaphore, #tpu.memory_space<semaphore_mem>>
            %dma_wait3A_210 = tpu.memref_squeeze %dma_wait3A_209 : memref<1x1x!tpu.dma_semaphore, #tpu.memory_space<semaphore_mem>> -> memref<!tpu.dma_semaphore, #tpu.memory_space<semaphore_mem>>
            %dma_wait3A_211 = arith.constant 0 : i32
            %dma_wait3A_212 = tpu.memref_slice %arg2[%mul3A_205, %dma_wait3A_211] : memref<16384x16xf32, #tpu.memory_space<any>> -> memref<512x16xf32, #tpu.memory_space<any>>
            %dma_wait3A_213 = arith.constant 0 : i32
            %dma_wait3A_214 = arith.constant 0 : i32
            %dma_wait3A_215 = tpu.memref_slice %arg6[%dma_wait3A_206, %dma_wait3A_213, %dma_wait3A_214] : memref<2x512x16xf32, #tpu.memory_space<vmem>> -> memref<1x512x16xf32, #tpu.memory_space<vmem>>
            %dma_wait3A_216 = tpu.memref_squeeze %dma_wait3A_215 : memref<1x512x16xf32, #tpu.memory_space<vmem>> -> memref<512x16xf32, #tpu.memory_space<vmem>>
            tpu.wait_dma2 semaphore(%dma_wait3A_210 : memref<!tpu.dma_semaphore, #tpu.memory_space<semaphore_mem>>) src(%dma_wait3A_216 : memref<512x16xf32, #tpu.memory_space<vmem>>) dst(%dma_wait3A_212 : memref<512x16xf32, #tpu.memory_space<any>>)
            %sub3A_217 = arith.constant 2 : i32
            %sub3A_218 = arith.subi %scan3A_94, %sub3A_217 : i32
            %mul3A_219 = arith.constant 512 : i32
            %mul3A_220 = arith.muli %sub3A_218, %mul3A_219 : i32
            %dma_wait3A_221 = arith.constant 1 : i32
            %dma_wait3A_222 = arith.constant 1 : i32
            %dma_wait3A_223 = arith.constant 1 : i32
            %dma_wait3A_224 = tpu.memref_slice %arg9[%dma_wait3A_222, %dma_wait3A_223] : memref<2x2x!tpu.dma_semaphore, #tpu.memory_space<semaphore_mem>> -> memref<1x1x!tpu.dma_semaphore, #tpu.memory_space<semaphore_mem>>
            %dma_wait3A_225 = tpu.memref_squeeze %dma_wait3A_224 : memref<1x1x!tpu.dma_semaphore, #tpu.memory_space<semaphore_mem>> -> memref<!tpu.dma_semaphore, #tpu.memory_space<semaphore_mem>>
            %dma_wait3A_226 = arith.constant 0 : i32
            %dma_wait3A_227 = tpu.memref_slice %arg3[%dma_wait3A_226, %mul3A_220] : memref<16x16384xf32, #tpu.memory_space<any>> -> memref<16x512xf32, #tpu.memory_space<any>>
            %dma_wait3A_228 = arith.constant 0 : i32
            %dma_wait3A_229 = arith.constant 0 : i32
            %dma_wait3A_230 = tpu.memref_slice %arg7[%dma_wait3A_221, %dma_wait3A_228, %dma_wait3A_229] : memref<2x16x512xf32, #tpu.memory_space<vmem>> -> memref<1x16x512xf32, #tpu.memory_space<vmem>>
            %dma_wait3A_231 = tpu.memref_squeeze %dma_wait3A_230 : memref<1x16x512xf32, #tpu.memory_space<vmem>> -> memref<16x512xf32, #tpu.memory_space<vmem>>
            tpu.wait_dma2 semaphore(%dma_wait3A_225 : memref<!tpu.dma_semaphore, #tpu.memory_space<semaphore_mem>>) src(%dma_wait3A_231 : memref<16x512xf32, #tpu.memory_space<vmem>>) dst(%dma_wait3A_227 : memref<16x512xf32, #tpu.memory_space<any>>)
          } else {
          }
          %swap3A = arith.constant 1 : index
          %swap3A_166 = arith.constant 0 : index
          %swap3A_167 = arith.constant 0 : index
          %swap3A_168 = vector.load %arg6[%swap3A, %swap3A_166, %swap3A_167] : memref<2x512x16xf32, #tpu.memory_space<vmem>>, vector<1x512x16xf32>
          %swap3A_169 = vector.shape_cast %swap3A_168 : vector<1x512x16xf32> to vector<512x16xf32>
          %swap3A_170 = vector.shape_cast %min3A_141 : vector<512x16xf32> to vector<1x512x16xf32>
          tpu.vector_store %arg6[%swap3A, %swap3A_166, %swap3A_167], %swap3A_170 {strides = array<i32>} : memref<2x512x16xf32, #tpu.memory_space<vmem>>, vector<1x512x16xf32>,
          %transpose3A = tpu.transpose %min3A_141, [1, 0] : vector<512x16xf32> -> vector<16x512xf32>
          %swap3A_171 = arith.constant 1 : index
          %swap3A_172 = arith.constant 0 : index
          %swap3A_173 = arith.constant 0 : index
          %swap3A_174 = vector.load %arg7[%swap3A_171, %swap3A_172, %swap3A_173] : memref<2x16x512xf32, #tpu.memory_space<vmem>>, vector<1x16x512xf32>
          %swap3A_175 = vector.shape_cast %swap3A_174 : vector<1x16x512xf32> to vector<16x512xf32>
          %swap3A_176 = vector.shape_cast %transpose3A : vector<16x512xf32> to vector<1x16x512xf32>
          tpu.vector_store %arg7[%swap3A_171, %swap3A_172, %swap3A_173], %swap3A_176 {strides = array<i32>} : memref<2x16x512xf32, #tpu.memory_space<vmem>>, vector<1x16x512xf32>,
          %mul3A_177 = arith.constant 512 : i32
          %mul3A_178 = arith.muli %scan3A_94, %mul3A_177 : i32
          %dma_start3A_179 = arith.constant 1 : i32
          %dma_start3A_180 = arith.constant 1 : i32
          %dma_start3A_181 = arith.constant 0 : i32
          %dma_start3A_182 = tpu.memref_slice %arg9[%dma_start3A_180, %dma_start3A_181] : memref<2x2x!tpu.dma_semaphore, #tpu.memory_space<semaphore_mem>> -> memref<1x1x!tpu.dma_semaphore, #tpu.memory_space<semaphore_mem>>
          %dma_start3A_183 = tpu.memref_squeeze %dma_start3A_182 : memref<1x1x!tpu.dma_semaphore, #tpu.memory_space<semaphore_mem>> -> memref<!tpu.dma_semaphore, #tpu.memory_space<semaphore_mem>>
          %dma_start3A_184 = arith.constant 0 : i32
          %dma_start3A_185 = tpu.memref_slice %arg2[%mul3A_178, %dma_start3A_184] : memref<16384x16xf32, #tpu.memory_space<any>> -> memref<512x16xf32, #tpu.memory_space<any>>
          %dma_start3A_186 = arith.constant 0 : i32
          %dma_start3A_187 = arith.constant 0 : i32
          %dma_start3A_188 = tpu.memref_slice %arg6[%dma_start3A_179, %dma_start3A_186, %dma_start3A_187] : memref<2x512x16xf32, #tpu.memory_space<vmem>> -> memref<1x512x16xf32, #tpu.memory_space<vmem>>
          %dma_start3A_189 = tpu.memref_squeeze %dma_start3A_188 : memref<1x512x16xf32, #tpu.memory_space<vmem>> -> memref<512x16xf32, #tpu.memory_space<vmem>>
          tpu.enqueue_dma source(%dma_start3A_189 : memref<512x16xf32, #tpu.memory_space<vmem>>) target(%dma_start3A_185 : memref<512x16xf32, #tpu.memory_space<any>>) target_semaphore(%dma_start3A_183 : memref<!tpu.dma_semaphore, #tpu.memory_space<semaphore_mem>>)
          %mul3A_190 = arith.constant 512 : i32
          %mul3A_191 = arith.muli %scan3A_94, %mul3A_190 : i32
          %dma_start3A_192 = arith.constant 1 : i32
          %dma_start3A_193 = arith.constant 1 : i32
          %dma_start3A_194 = arith.constant 1 : i32
          %dma_start3A_195 = tpu.memref_slice %arg9[%dma_start3A_193, %dma_start3A_194] : memref<2x2x!tpu.dma_semaphore, #tpu.memory_space<semaphore_mem>> -> memref<1x1x!tpu.dma_semaphore, #tpu.memory_space<semaphore_mem>>
          %dma_start3A_196 = tpu.memref_squeeze %dma_start3A_195 : memref<1x1x!tpu.dma_semaphore, #tpu.memory_space<semaphore_mem>> -> memref<!tpu.dma_semaphore, #tpu.memory_space<semaphore_mem>>
          %dma_start3A_197 = arith.constant 0 : i32
          %dma_start3A_198 = tpu.memref_slice %arg3[%dma_start3A_197, %mul3A_191] : memref<16x16384xf32, #tpu.memory_space<any>> -> memref<16x512xf32, #tpu.memory_space<any>>
          %dma_start3A_199 = arith.constant 0 : i32
          %dma_start3A_200 = arith.constant 0 : i32
          %dma_start3A_201 = tpu.memref_slice %arg7[%dma_start3A_192, %dma_start3A_199, %dma_start3A_200] : memref<2x16x512xf32, #tpu.memory_space<vmem>> -> memref<1x16x512xf32, #tpu.memory_space<vmem>>
          %dma_start3A_202 = tpu.memref_squeeze %dma_start3A_201 : memref<1x16x512xf32, #tpu.memory_space<vmem>> -> memref<16x512xf32, #tpu.memory_space<vmem>>
          tpu.enqueue_dma source(%dma_start3A_202 : memref<16x512xf32, #tpu.memory_space<vmem>>) target(%dma_start3A_198 : memref<16x512xf32, #tpu.memory_space<any>>) target_semaphore(%dma_start3A_196 : memref<!tpu.dma_semaphore, #tpu.memory_space<semaphore_mem>>)
        } else {
        }
        %add3A_156 = arith.constant 4 : i32
        %add3A_157 = arith.addi %scan3A_94, %add3A_156 : i32
        %lt3A = arith.constant 32 : i32
        %lt3A_158 = arith.cmpi slt, %add3A_157, %lt3A : i32
        %convert_element_type3A_159 = arith.extui %lt3A_158 : i1 to i32
        %cond3A_160 = arith.constant 0 : i32
        %cond3A_161 = arith.cmpi ne, %convert_element_type3A_159, %cond3A_160 : i32
        scf.if %cond3A_161 {
          %add3A_162 = arith.constant 4 : i32
          %add3A_163 = arith.addi %scan3A_94, %add3A_162 : i32
          %add3A_164 = arith.constant 0 : i32
          %add3A_165 = arith.addi %add3A_164, %add3A_163 : i32
          %mul3A_166 = arith.constant 512 : i32
          %mul3A_167 = arith.muli %add3A_165, %mul3A_166 : i32
          %dma_start3A_168 = arith.constant 0 : i32
          %dma_start3A_169 = arith.constant 0 : i32
          %dma_start3A_170 = tpu.memref_slice %arg8[%dma_start3A_169] : memref<4x!tpu.dma_semaphore, #tpu.memory_space<semaphore_mem>> -> memref<1x!tpu.dma_semaphore, #tpu.memory_space<semaphore_mem>>
          %dma_start3A_171 = tpu.memref_squeeze %dma_start3A_170 : memref<1x!tpu.dma_semaphore, #tpu.memory_space<semaphore_mem>> -> memref<!tpu.dma_semaphore, #tpu.memory_space<semaphore_mem>>
          %dma_start3A_172 = arith.constant 0 : i32
          %dma_start3A_173 = arith.constant 0 : i32
          %dma_start3A_174 = tpu.memref_slice %arg5[%dma_start3A_168, %dma_start3A_172, %dma_start3A_173] : memref<4x512x2048xf32, #tpu.memory_space<vmem>> -> memref<1x512x2048xf32, #tpu.memory_space<vmem>>
          %dma_start3A_175 = tpu.memref_squeeze %dma_start3A_174 : memref<1x512x2048xf32, #tpu.memory_space<vmem>> -> memref<512x2048xf32, #tpu.memory_space<vmem>>
          %dma_start3A_176 = arith.constant 0 : i32
          %dma_start3A_177 = tpu.memref_slice %arg0[%mul3A_167, %dma_start3A_176] : memref<16384x2048xf32, #tpu.memory_space<any>> -> memref<512x2048xf32, #tpu.memory_space<any>>
          tpu.enqueue_dma source(%dma_start3A_177 : memref<512x2048xf32, #tpu.memory_space<any>>) target(%dma_start3A_175 : memref<512x2048xf32, #tpu.memory_space<vmem>>) target_semaphore(%dma_start3A_171 : memref<!tpu.dma_semaphore, #tpu.memory_space<semaphore_mem>>)
        } else {
        }
      } else {
      }
      %rem3A_98 = arith.constant 4 : i32
      %rem3A_99 = arith.remsi %scan3A_94, %rem3A_98 : i32
      %eq3A_100 = arith.constant 1 : i32
      %eq3A_101 = arith.cmpi eq, %rem3A_99, %eq3A_100 : i32
      %convert_element_type3A_102 = arith.extui %eq3A_101 : i1 to i32
      %cond3A_103 = arith.constant 0 : i32
      %cond3A_104 = arith.cmpi ne, %convert_element_type3A_102, %cond3A_103 : i32
      scf.if %cond3A_104 {
        %add3A = arith.constant 0 : i32
        %add3A_119 = arith.addi %add3A, %scan3A_94 : i32
        %mul3A = arith.constant 512 : i32
        %mul3A_120 = arith.muli %add3A_119, %mul3A : i32
        %dma_wait3A_121 = arith.constant 1 : i32
        %dma_wait3A_122 = arith.constant 1 : i32
        %dma_wait3A_123 = tpu.memref_slice %arg8[%dma_wait3A_122] : memref<4x!tpu.dma_semaphore, #tpu.memory_space<semaphore_mem>> -> memref<1x!tpu.dma_semaphore, #tpu.memory_space<semaphore_mem>>
        %dma_wait3A_124 = tpu.memref_squeeze %dma_wait3A_123 : memref<1x!tpu.dma_semaphore, #tpu.memory_space<semaphore_mem>> -> memref<!tpu.dma_semaphore, #tpu.memory_space<semaphore_mem>>
        %dma_wait3A_125 = arith.constant 0 : i32
        %dma_wait3A_126 = arith.constant 0 : i32
        %dma_wait3A_127 = tpu.memref_slice %arg5[%dma_wait3A_121, %dma_wait3A_125, %dma_wait3A_126] : memref<4x512x2048xf32, #tpu.memory_space<vmem>> -> memref<1x512x2048xf32, #tpu.memory_space<vmem>>
        %dma_wait3A_128 = tpu.memref_squeeze %dma_wait3A_127 : memref<1x512x2048xf32, #tpu.memory_space<vmem>> -> memref<512x2048xf32, #tpu.memory_space<vmem>>
        %dma_wait3A_129 = arith.constant 0 : i32
        %dma_wait3A_130 = tpu.memref_slice %arg0[%mul3A_120, %dma_wait3A_129] : memref<16384x2048xf32, #tpu.memory_space<any>> -> memref<512x2048xf32, #tpu.memory_space<any>>
        tpu.wait_dma2 semaphore(%dma_wait3A_124 : memref<!tpu.dma_semaphore, #tpu.memory_space<semaphore_mem>>) src(%dma_wait3A_130 : memref<512x2048xf32, #tpu.memory_space<any>>) dst(%dma_wait3A_128 : memref<512x2048xf32, #tpu.memory_space<vmem>>)
        %get3A = arith.constant 1 : index
        %get3A_131 = arith.constant 0 : index
        %get3A_132 = arith.constant 0 : index
        %get3A_133 = vector.load %arg5[%get3A, %get3A_131, %get3A_132] : memref<4x512x2048xf32, #tpu.memory_space<vmem>>, vector<1x512x2048xf32>
        %get3A_134 = vector.shape_cast %get3A_133 : vector<1x512x2048xf32> to vector<512x2048xf32>
        %get3A_135 = arith.constant 0 : index
        %get3A_136 = arith.constant 0 : index
        %get3A_137 = vector.load %arg4[%get3A_135, %get3A_136] : memref<2048x16xf32, #tpu.memory_space<vmem>>, vector<2048x16xf32>
        %dot_general3A = arith.constant dense<0.000000e+00> : vector<512x16xf32>
        %dot_general3A_138 = tpu.matmul %get3A_134, %get3A_137, %dot_general3A {dimension_numbers = #tpu.dot_dimension_numbers<[1], [0], [0], [1], [0, 0, 1, 1], [], []>, transpose_lhs_hint = false} : vector<512x2048xf32>, vector<2048x16xf32>, vector<512x16xf32> -> vector<512x16xf32>
        %jit3A = arith.constant -5.000000e+01 : f32
        %jit3A_139 = arith.constant 5.000000e+01 : f32
        %max3A = vector.broadcast %jit3A : f32 to vector<512x16xf32>
        %max3A_140 = arith.maximumf %max3A, %dot_general3A_138 : vector<512x16xf32>
        %min3A = vector.broadcast %jit3A_139 : f32 to vector<512x16xf32>
        %min3A_141 = arith.minimumf %min3A, %max3A_140 : vector<512x16xf32>
        %rem3A_142 = arith.constant 2 : i32
        %rem3A_143 = arith.remsi %scan3A_94, %rem3A_142 : i32
        %eq3A_144 = arith.constant 0 : i32
        %eq3A_145 = arith.cmpi eq, %rem3A_143, %eq3A_144 : i32
        %convert_element_type3A_146 = arith.extui %eq3A_145 : i1 to i32
        %cond3A_147 = arith.constant 0 : i32
        %cond3A_148 = arith.cmpi ne, %convert_element_type3A_146, %cond3A_147 : i32
        scf.if %cond3A_148 {
          %ge3A = arith.constant 2 : i32
          %ge3A_162 = arith.cmpi sge, %scan3A_94, %ge3A : i32
          %convert_element_type3A_163 = arith.extui %ge3A_162 : i1 to i32
          %cond3A_164 = arith.constant 0 : i32
          %cond3A_165 = arith.cmpi ne, %convert_element_type3A_163, %cond3A_164 : i32
          scf.if %cond3A_165 {
            %sub3A = arith.constant 2 : i32
            %sub3A_203 = arith.subi %scan3A_94, %sub3A : i32
            %mul3A_204 = arith.constant 512 : i32
            %mul3A_205 = arith.muli %sub3A_203, %mul3A_204 : i32
            %dma_wait3A_206 = arith.constant 0 : i32
            %dma_wait3A_207 = arith.constant 0 : i32
            %dma_wait3A_208 = arith.constant 0 : i32
            %dma_wait3A_209 = tpu.memref_slice %arg9[%dma_wait3A_207, %dma_wait3A_208] : memref<2x2x!tpu.dma_semaphore, #tpu.memory_space<semaphore_mem>> -> memref<1x1x!tpu.dma_semaphore, #tpu.memory_space<semaphore_mem>>
            %dma_wait3A_210 = tpu.memref_squeeze %dma_wait3A_209 : memref<1x1x!tpu.dma_semaphore, #tpu.memory_space<semaphore_mem>> -> memref<!tpu.dma_semaphore, #tpu.memory_space<semaphore_mem>>
            %dma_wait3A_211 = arith.constant 0 : i32
            %dma_wait3A_212 = tpu.memref_slice %arg2[%mul3A_205, %dma_wait3A_211] : memref<16384x16xf32, #tpu.memory_space<any>> -> memref<512x16xf32, #tpu.memory_space<any>>
            %dma_wait3A_213 = arith.constant 0 : i32
            %dma_wait3A_214 = arith.constant 0 : i32
            %dma_wait3A_215 = tpu.memref_slice %arg6[%dma_wait3A_206, %dma_wait3A_213, %dma_wait3A_214] : memref<2x512x16xf32, #tpu.memory_space<vmem>> -> memref<1x512x16xf32, #tpu.memory_space<vmem>>
            %dma_wait3A_216 = tpu.memref_squeeze %dma_wait3A_215 : memref<1x512x16xf32, #tpu.memory_space<vmem>> -> memref<512x16xf32, #tpu.memory_space<vmem>>
            tpu.wait_dma2 semaphore(%dma_wait3A_210 : memref<!tpu.dma_semaphore, #tpu.memory_space<semaphore_mem>>) src(%dma_wait3A_216 : memref<512x16xf32, #tpu.memory_space<vmem>>) dst(%dma_wait3A_212 : memref<512x16xf32, #tpu.memory_space<any>>)
            %sub3A_217 = arith.constant 2 : i32
            %sub3A_218 = arith.subi %scan3A_94, %sub3A_217 : i32
            %mul3A_219 = arith.constant 512 : i32
            %mul3A_220 = arith.muli %sub3A_218, %mul3A_219 : i32
            %dma_wait3A_221 = arith.constant 0 : i32
            %dma_wait3A_222 = arith.constant 0 : i32
            %dma_wait3A_223 = arith.constant 1 : i32
            %dma_wait3A_224 = tpu.memref_slice %arg9[%dma_wait3A_222, %dma_wait3A_223] : memref<2x2x!tpu.dma_semaphore, #tpu.memory_space<semaphore_mem>> -> memref<1x1x!tpu.dma_semaphore, #tpu.memory_space<semaphore_mem>>
            %dma_wait3A_225 = tpu.memref_squeeze %dma_wait3A_224 : memref<1x1x!tpu.dma_semaphore, #tpu.memory_space<semaphore_mem>> -> memref<!tpu.dma_semaphore, #tpu.memory_space<semaphore_mem>>
            %dma_wait3A_226 = arith.constant 0 : i32
            %dma_wait3A_227 = tpu.memref_slice %arg3[%dma_wait3A_226, %mul3A_220] : memref<16x16384xf32, #tpu.memory_space<any>> -> memref<16x512xf32, #tpu.memory_space<any>>
            %dma_wait3A_228 = arith.constant 0 : i32
            %dma_wait3A_229 = arith.constant 0 : i32
            %dma_wait3A_230 = tpu.memref_slice %arg7[%dma_wait3A_221, %dma_wait3A_228, %dma_wait3A_229] : memref<2x16x512xf32, #tpu.memory_space<vmem>> -> memref<1x16x512xf32, #tpu.memory_space<vmem>>
            %dma_wait3A_231 = tpu.memref_squeeze %dma_wait3A_230 : memref<1x16x512xf32, #tpu.memory_space<vmem>> -> memref<16x512xf32, #tpu.memory_space<vmem>>
            tpu.wait_dma2 semaphore(%dma_wait3A_225 : memref<!tpu.dma_semaphore, #tpu.memory_space<semaphore_mem>>) src(%dma_wait3A_231 : memref<16x512xf32, #tpu.memory_space<vmem>>) dst(%dma_wait3A_227 : memref<16x512xf32, #tpu.memory_space<any>>)
          } else {
          }
          %swap3A = arith.constant 0 : index
          %swap3A_166 = arith.constant 0 : index
          %swap3A_167 = arith.constant 0 : index
          %swap3A_168 = vector.load %arg6[%swap3A, %swap3A_166, %swap3A_167] : memref<2x512x16xf32, #tpu.memory_space<vmem>>, vector<1x512x16xf32>
          %swap3A_169 = vector.shape_cast %swap3A_168 : vector<1x512x16xf32> to vector<512x16xf32>
          %swap3A_170 = vector.shape_cast %min3A_141 : vector<512x16xf32> to vector<1x512x16xf32>
          tpu.vector_store %arg6[%swap3A, %swap3A_166, %swap3A_167], %swap3A_170 {strides = array<i32>} : memref<2x512x16xf32, #tpu.memory_space<vmem>>, vector<1x512x16xf32>,
          %transpose3A = tpu.transpose %min3A_141, [1, 0] : vector<512x16xf32> -> vector<16x512xf32>
          %swap3A_171 = arith.constant 0 : index
          %swap3A_172 = arith.constant 0 : index
          %swap3A_173 = arith.constant 0 : index
          %swap3A_174 = vector.load %arg7[%swap3A_171, %swap3A_172, %swap3A_173] : memref<2x16x512xf32, #tpu.memory_space<vmem>>, vector<1x16x512xf32>
          %swap3A_175 = vector.shape_cast %swap3A_174 : vector<1x16x512xf32> to vector<16x512xf32>
          %swap3A_176 = vector.shape_cast %transpose3A : vector<16x512xf32> to vector<1x16x512xf32>
          tpu.vector_store %arg7[%swap3A_171, %swap3A_172, %swap3A_173], %swap3A_176 {strides = array<i32>} : memref<2x16x512xf32, #tpu.memory_space<vmem>>, vector<1x16x512xf32>,
          %mul3A_177 = arith.constant 512 : i32
          %mul3A_178 = arith.muli %scan3A_94, %mul3A_177 : i32
          %dma_start3A_179 = arith.constant 0 : i32
          %dma_start3A_180 = arith.constant 0 : i32
          %dma_start3A_181 = arith.constant 0 : i32
          %dma_start3A_182 = tpu.memref_slice %arg9[%dma_start3A_180, %dma_start3A_181] : memref<2x2x!tpu.dma_semaphore, #tpu.memory_space<semaphore_mem>> -> memref<1x1x!tpu.dma_semaphore, #tpu.memory_space<semaphore_mem>>
          %dma_start3A_183 = tpu.memref_squeeze %dma_start3A_182 : memref<1x1x!tpu.dma_semaphore, #tpu.memory_space<semaphore_mem>> -> memref<!tpu.dma_semaphore, #tpu.memory_space<semaphore_mem>>
          %dma_start3A_184 = arith.constant 0 : i32
          %dma_start3A_185 = tpu.memref_slice %arg2[%mul3A_178, %dma_start3A_184] : memref<16384x16xf32, #tpu.memory_space<any>> -> memref<512x16xf32, #tpu.memory_space<any>>
          %dma_start3A_186 = arith.constant 0 : i32
          %dma_start3A_187 = arith.constant 0 : i32
          %dma_start3A_188 = tpu.memref_slice %arg6[%dma_start3A_179, %dma_start3A_186, %dma_start3A_187] : memref<2x512x16xf32, #tpu.memory_space<vmem>> -> memref<1x512x16xf32, #tpu.memory_space<vmem>>
          %dma_start3A_189 = tpu.memref_squeeze %dma_start3A_188 : memref<1x512x16xf32, #tpu.memory_space<vmem>> -> memref<512x16xf32, #tpu.memory_space<vmem>>
          tpu.enqueue_dma source(%dma_start3A_189 : memref<512x16xf32, #tpu.memory_space<vmem>>) target(%dma_start3A_185 : memref<512x16xf32, #tpu.memory_space<any>>) target_semaphore(%dma_start3A_183 : memref<!tpu.dma_semaphore, #tpu.memory_space<semaphore_mem>>)
          %mul3A_190 = arith.constant 512 : i32
          %mul3A_191 = arith.muli %scan3A_94, %mul3A_190 : i32
          %dma_start3A_192 = arith.constant 0 : i32
          %dma_start3A_193 = arith.constant 0 : i32
          %dma_start3A_194 = arith.constant 1 : i32
          %dma_start3A_195 = tpu.memref_slice %arg9[%dma_start3A_193, %dma_start3A_194] : memref<2x2x!tpu.dma_semaphore, #tpu.memory_space<semaphore_mem>> -> memref<1x1x!tpu.dma_semaphore, #tpu.memory_space<semaphore_mem>>
          %dma_start3A_196 = tpu.memref_squeeze %dma_start3A_195 : memref<1x1x!tpu.dma_semaphore, #tpu.memory_space<semaphore_mem>> -> memref<!tpu.dma_semaphore, #tpu.memory_space<semaphore_mem>>
          %dma_start3A_197 = arith.constant 0 : i32
          %dma_start3A_198 = tpu.memref_slice %arg3[%dma_start3A_197, %mul3A_191] : memref<16x16384xf32, #tpu.memory_space<any>> -> memref<16x512xf32, #tpu.memory_space<any>>
          %dma_start3A_199 = arith.constant 0 : i32
          %dma_start3A_200 = arith.constant 0 : i32
          %dma_start3A_201 = tpu.memref_slice %arg7[%dma_start3A_192, %dma_start3A_199, %dma_start3A_200] : memref<2x16x512xf32, #tpu.memory_space<vmem>> -> memref<1x16x512xf32, #tpu.memory_space<vmem>>
          %dma_start3A_202 = tpu.memref_squeeze %dma_start3A_201 : memref<1x16x512xf32, #tpu.memory_space<vmem>> -> memref<16x512xf32, #tpu.memory_space<vmem>>
          tpu.enqueue_dma source(%dma_start3A_202 : memref<16x512xf32, #tpu.memory_space<vmem>>) target(%dma_start3A_198 : memref<16x512xf32, #tpu.memory_space<any>>) target_semaphore(%dma_start3A_196 : memref<!tpu.dma_semaphore, #tpu.memory_space<semaphore_mem>>)
        } else {
        }
        %rem3A_149 = arith.constant 2 : i32
        %rem3A_150 = arith.remsi %scan3A_94, %rem3A_149 : i32
        %eq3A_151 = arith.constant 1 : i32
        %eq3A_152 = arith.cmpi eq, %rem3A_150, %eq3A_151 : i32
        %convert_element_type3A_153 = arith.extui %eq3A_152 : i1 to i32
        %cond3A_154 = arith.constant 0 : i32
        %cond3A_155 = arith.cmpi ne, %convert_element_type3A_153, %cond3A_154 : i32
        scf.if %cond3A_155 {
          %ge3A = arith.constant 2 : i32
          %ge3A_162 = arith.cmpi sge, %scan3A_94, %ge3A : i32
          %convert_element_type3A_163 = arith.extui %ge3A_162 : i1 to i32
          %cond3A_164 = arith.constant 0 : i32
          %cond3A_165 = arith.cmpi ne, %convert_element_type3A_163, %cond3A_164 : i32
          scf.if %cond3A_165 {
            %sub3A = arith.constant 2 : i32
            %sub3A_203 = arith.subi %scan3A_94, %sub3A : i32
            %mul3A_204 = arith.constant 512 : i32
            %mul3A_205 = arith.muli %sub3A_203, %mul3A_204 : i32
            %dma_wait3A_206 = arith.constant 1 : i32
            %dma_wait3A_207 = arith.constant 1 : i32
            %dma_wait3A_208 = arith.constant 0 : i32
            %dma_wait3A_209 = tpu.memref_slice %arg9[%dma_wait3A_207, %dma_wait3A_208] : memref<2x2x!tpu.dma_semaphore, #tpu.memory_space<semaphore_mem>> -> memref<1x1x!tpu.dma_semaphore, #tpu.memory_space<semaphore_mem>>
            %dma_wait3A_210 = tpu.memref_squeeze %dma_wait3A_209 : memref<1x1x!tpu.dma_semaphore, #tpu.memory_space<semaphore_mem>> -> memref<!tpu.dma_semaphore, #tpu.memory_space<semaphore_mem>>
            %dma_wait3A_211 = arith.constant 0 : i32
            %dma_wait3A_212 = tpu.memref_slice %arg2[%mul3A_205, %dma_wait3A_211] : memref<16384x16xf32, #tpu.memory_space<any>> -> memref<512x16xf32, #tpu.memory_space<any>>
            %dma_wait3A_213 = arith.constant 0 : i32
            %dma_wait3A_214 = arith.constant 0 : i32
            %dma_wait3A_215 = tpu.memref_slice %arg6[%dma_wait3A_206, %dma_wait3A_213, %dma_wait3A_214] : memref<2x512x16xf32, #tpu.memory_space<vmem>> -> memref<1x512x16xf32, #tpu.memory_space<vmem>>
            %dma_wait3A_216 = tpu.memref_squeeze %dma_wait3A_215 : memref<1x512x16xf32, #tpu.memory_space<vmem>> -> memref<512x16xf32, #tpu.memory_space<vmem>>
            tpu.wait_dma2 semaphore(%dma_wait3A_210 : memref<!tpu.dma_semaphore, #tpu.memory_space<semaphore_mem>>) src(%dma_wait3A_216 : memref<512x16xf32, #tpu.memory_space<vmem>>) dst(%dma_wait3A_212 : memref<512x16xf32, #tpu.memory_space<any>>)
            %sub3A_217 = arith.constant 2 : i32
            %sub3A_218 = arith.subi %scan3A_94, %sub3A_217 : i32
            %mul3A_219 = arith.constant 512 : i32
            %mul3A_220 = arith.muli %sub3A_218, %mul3A_219 : i32
            %dma_wait3A_221 = arith.constant 1 : i32
            %dma_wait3A_222 = arith.constant 1 : i32
            %dma_wait3A_223 = arith.constant 1 : i32
            %dma_wait3A_224 = tpu.memref_slice %arg9[%dma_wait3A_222, %dma_wait3A_223] : memref<2x2x!tpu.dma_semaphore, #tpu.memory_space<semaphore_mem>> -> memref<1x1x!tpu.dma_semaphore, #tpu.memory_space<semaphore_mem>>
            %dma_wait3A_225 = tpu.memref_squeeze %dma_wait3A_224 : memref<1x1x!tpu.dma_semaphore, #tpu.memory_space<semaphore_mem>> -> memref<!tpu.dma_semaphore, #tpu.memory_space<semaphore_mem>>
            %dma_wait3A_226 = arith.constant 0 : i32
            %dma_wait3A_227 = tpu.memref_slice %arg3[%dma_wait3A_226, %mul3A_220] : memref<16x16384xf32, #tpu.memory_space<any>> -> memref<16x512xf32, #tpu.memory_space<any>>
            %dma_wait3A_228 = arith.constant 0 : i32
            %dma_wait3A_229 = arith.constant 0 : i32
            %dma_wait3A_230 = tpu.memref_slice %arg7[%dma_wait3A_221, %dma_wait3A_228, %dma_wait3A_229] : memref<2x16x512xf32, #tpu.memory_space<vmem>> -> memref<1x16x512xf32, #tpu.memory_space<vmem>>
            %dma_wait3A_231 = tpu.memref_squeeze %dma_wait3A_230 : memref<1x16x512xf32, #tpu.memory_space<vmem>> -> memref<16x512xf32, #tpu.memory_space<vmem>>
            tpu.wait_dma2 semaphore(%dma_wait3A_225 : memref<!tpu.dma_semaphore, #tpu.memory_space<semaphore_mem>>) src(%dma_wait3A_231 : memref<16x512xf32, #tpu.memory_space<vmem>>) dst(%dma_wait3A_227 : memref<16x512xf32, #tpu.memory_space<any>>)
          } else {
          }
          %swap3A = arith.constant 1 : index
          %swap3A_166 = arith.constant 0 : index
          %swap3A_167 = arith.constant 0 : index
          %swap3A_168 = vector.load %arg6[%swap3A, %swap3A_166, %swap3A_167] : memref<2x512x16xf32, #tpu.memory_space<vmem>>, vector<1x512x16xf32>
          %swap3A_169 = vector.shape_cast %swap3A_168 : vector<1x512x16xf32> to vector<512x16xf32>
          %swap3A_170 = vector.shape_cast %min3A_141 : vector<512x16xf32> to vector<1x512x16xf32>
          tpu.vector_store %arg6[%swap3A, %swap3A_166, %swap3A_167], %swap3A_170 {strides = array<i32>} : memref<2x512x16xf32, #tpu.memory_space<vmem>>, vector<1x512x16xf32>,
          %transpose3A = tpu.transpose %min3A_141, [1, 0] : vector<512x16xf32> -> vector<16x512xf32>
          %swap3A_171 = arith.constant 1 : index
          %swap3A_172 = arith.constant 0 : index
          %swap3A_173 = arith.constant 0 : index
          %swap3A_174 = vector.load %arg7[%swap3A_171, %swap3A_172, %swap3A_173] : memref<2x16x512xf32, #tpu.memory_space<vmem>>, vector<1x16x512xf32>
          %swap3A_175 = vector.shape_cast %swap3A_174 : vector<1x16x512xf32> to vector<16x512xf32>
          %swap3A_176 = vector.shape_cast %transpose3A : vector<16x512xf32> to vector<1x16x512xf32>
          tpu.vector_store %arg7[%swap3A_171, %swap3A_172, %swap3A_173], %swap3A_176 {strides = array<i32>} : memref<2x16x512xf32, #tpu.memory_space<vmem>>, vector<1x16x512xf32>,
          %mul3A_177 = arith.constant 512 : i32
          %mul3A_178 = arith.muli %scan3A_94, %mul3A_177 : i32
          %dma_start3A_179 = arith.constant 1 : i32
          %dma_start3A_180 = arith.constant 1 : i32
          %dma_start3A_181 = arith.constant 0 : i32
          %dma_start3A_182 = tpu.memref_slice %arg9[%dma_start3A_180, %dma_start3A_181] : memref<2x2x!tpu.dma_semaphore, #tpu.memory_space<semaphore_mem>> -> memref<1x1x!tpu.dma_semaphore, #tpu.memory_space<semaphore_mem>>
          %dma_start3A_183 = tpu.memref_squeeze %dma_start3A_182 : memref<1x1x!tpu.dma_semaphore, #tpu.memory_space<semaphore_mem>> -> memref<!tpu.dma_semaphore, #tpu.memory_space<semaphore_mem>>
          %dma_start3A_184 = arith.constant 0 : i32
          %dma_start3A_185 = tpu.memref_slice %arg2[%mul3A_178, %dma_start3A_184] : memref<16384x16xf32, #tpu.memory_space<any>> -> memref<512x16xf32, #tpu.memory_space<any>>
          %dma_start3A_186 = arith.constant 0 : i32
          %dma_start3A_187 = arith.constant 0 : i32
          %dma_start3A_188 = tpu.memref_slice %arg6[%dma_start3A_179, %dma_start3A_186, %dma_start3A_187] : memref<2x512x16xf32, #tpu.memory_space<vmem>> -> memref<1x512x16xf32, #tpu.memory_space<vmem>>
          %dma_start3A_189 = tpu.memref_squeeze %dma_start3A_188 : memref<1x512x16xf32, #tpu.memory_space<vmem>> -> memref<512x16xf32, #tpu.memory_space<vmem>>
          tpu.enqueue_dma source(%dma_start3A_189 : memref<512x16xf32, #tpu.memory_space<vmem>>) target(%dma_start3A_185 : memref<512x16xf32, #tpu.memory_space<any>>) target_semaphore(%dma_start3A_183 : memref<!tpu.dma_semaphore, #tpu.memory_space<semaphore_mem>>)
          %mul3A_190 = arith.constant 512 : i32
          %mul3A_191 = arith.muli %scan3A_94, %mul3A_190 : i32
          %dma_start3A_192 = arith.constant 1 : i32
          %dma_start3A_193 = arith.constant 1 : i32
          %dma_start3A_194 = arith.constant 1 : i32
          %dma_start3A_195 = tpu.memref_slice %arg9[%dma_start3A_193, %dma_start3A_194] : memref<2x2x!tpu.dma_semaphore, #tpu.memory_space<semaphore_mem>> -> memref<1x1x!tpu.dma_semaphore, #tpu.memory_space<semaphore_mem>>
          %dma_start3A_196 = tpu.memref_squeeze %dma_start3A_195 : memref<1x1x!tpu.dma_semaphore, #tpu.memory_space<semaphore_mem>> -> memref<!tpu.dma_semaphore, #tpu.memory_space<semaphore_mem>>
          %dma_start3A_197 = arith.constant 0 : i32
          %dma_start3A_198 = tpu.memref_slice %arg3[%dma_start3A_197, %mul3A_191] : memref<16x16384xf32, #tpu.memory_space<any>> -> memref<16x512xf32, #tpu.memory_space<any>>
          %dma_start3A_199 = arith.constant 0 : i32
          %dma_start3A_200 = arith.constant 0 : i32
          %dma_start3A_201 = tpu.memref_slice %arg7[%dma_start3A_192, %dma_start3A_199, %dma_start3A_200] : memref<2x16x512xf32, #tpu.memory_space<vmem>> -> memref<1x16x512xf32, #tpu.memory_space<vmem>>
          %dma_start3A_202 = tpu.memref_squeeze %dma_start3A_201 : memref<1x16x512xf32, #tpu.memory_space<vmem>> -> memref<16x512xf32, #tpu.memory_space<vmem>>
          tpu.enqueue_dma source(%dma_start3A_202 : memref<16x512xf32, #tpu.memory_space<vmem>>) target(%dma_start3A_198 : memref<16x512xf32, #tpu.memory_space<any>>) target_semaphore(%dma_start3A_196 : memref<!tpu.dma_semaphore, #tpu.memory_space<semaphore_mem>>)
        } else {
        }
        %add3A_156 = arith.constant 4 : i32
        %add3A_157 = arith.addi %scan3A_94, %add3A_156 : i32
        %lt3A = arith.constant 32 : i32
        %lt3A_158 = arith.cmpi slt, %add3A_157, %lt3A : i32
        %convert_element_type3A_159 = arith.extui %lt3A_158 : i1 to i32
        %cond3A_160 = arith.constant 0 : i32
        %cond3A_161 = arith.cmpi ne, %convert_element_type3A_159, %cond3A_160 : i32
        scf.if %cond3A_161 {
          %add3A_162 = arith.constant 4 : i32
          %add3A_163 = arith.addi %scan3A_94, %add3A_162 : i32
          %add3A_164 = arith.constant 0 : i32
          %add3A_165 = arith.addi %add3A_164, %add3A_163 : i32
          %mul3A_166 = arith.constant 512 : i32
          %mul3A_167 = arith.muli %add3A_165, %mul3A_166 : i32
          %dma_start3A_168 = arith.constant 1 : i32
          %dma_start3A_169 = arith.constant 1 : i32
          %dma_start3A_170 = tpu.memref_slice %arg8[%dma_start3A_169] : memref<4x!tpu.dma_semaphore, #tpu.memory_space<semaphore_mem>> -> memref<1x!tpu.dma_semaphore, #tpu.memory_space<semaphore_mem>>
          %dma_start3A_171 = tpu.memref_squeeze %dma_start3A_170 : memref<1x!tpu.dma_semaphore, #tpu.memory_space<semaphore_mem>> -> memref<!tpu.dma_semaphore, #tpu.memory_space<semaphore_mem>>
          %dma_start3A_172 = arith.constant 0 : i32
          %dma_start3A_173 = arith.constant 0 : i32
          %dma_start3A_174 = tpu.memref_slice %arg5[%dma_start3A_168, %dma_start3A_172, %dma_start3A_173] : memref<4x512x2048xf32, #tpu.memory_space<vmem>> -> memref<1x512x2048xf32, #tpu.memory_space<vmem>>
          %dma_start3A_175 = tpu.memref_squeeze %dma_start3A_174 : memref<1x512x2048xf32, #tpu.memory_space<vmem>> -> memref<512x2048xf32, #tpu.memory_space<vmem>>
          %dma_start3A_176 = arith.constant 0 : i32
          %dma_start3A_177 = tpu.memref_slice %arg0[%mul3A_167, %dma_start3A_176] : memref<16384x2048xf32, #tpu.memory_space<any>> -> memref<512x2048xf32, #tpu.memory_space<any>>
          tpu.enqueue_dma source(%dma_start3A_177 : memref<512x2048xf32, #tpu.memory_space<any>>) target(%dma_start3A_175 : memref<512x2048xf32, #tpu.memory_space<vmem>>) target_semaphore(%dma_start3A_171 : memref<!tpu.dma_semaphore, #tpu.memory_space<semaphore_mem>>)
        } else {
        }
      } else {
      }
      %rem3A_105 = arith.constant 4 : i32
      %rem3A_106 = arith.remsi %scan3A_94, %rem3A_105 : i32
      %eq3A_107 = arith.constant 2 : i32
      %eq3A_108 = arith.cmpi eq, %rem3A_106, %eq3A_107 : i32
      %convert_element_type3A_109 = arith.extui %eq3A_108 : i1 to i32
      %cond3A_110 = arith.constant 0 : i32
      %cond3A_111 = arith.cmpi ne, %convert_element_type3A_109, %cond3A_110 : i32
      scf.if %cond3A_111 {
        %add3A = arith.constant 0 : i32
        %add3A_119 = arith.addi %add3A, %scan3A_94 : i32
        %mul3A = arith.constant 512 : i32
        %mul3A_120 = arith.muli %add3A_119, %mul3A : i32
        %dma_wait3A_121 = arith.constant 2 : i32
        %dma_wait3A_122 = arith.constant 2 : i32
        %dma_wait3A_123 = tpu.memref_slice %arg8[%dma_wait3A_122] : memref<4x!tpu.dma_semaphore, #tpu.memory_space<semaphore_mem>> -> memref<1x!tpu.dma_semaphore, #tpu.memory_space<semaphore_mem>>
        %dma_wait3A_124 = tpu.memref_squeeze %dma_wait3A_123 : memref<1x!tpu.dma_semaphore, #tpu.memory_space<semaphore_mem>> -> memref<!tpu.dma_semaphore, #tpu.memory_space<semaphore_mem>>
        %dma_wait3A_125 = arith.constant 0 : i32
        %dma_wait3A_126 = arith.constant 0 : i32
        %dma_wait3A_127 = tpu.memref_slice %arg5[%dma_wait3A_121, %dma_wait3A_125, %dma_wait3A_126] : memref<4x512x2048xf32, #tpu.memory_space<vmem>> -> memref<1x512x2048xf32, #tpu.memory_space<vmem>>
        %dma_wait3A_128 = tpu.memref_squeeze %dma_wait3A_127 : memref<1x512x2048xf32, #tpu.memory_space<vmem>> -> memref<512x2048xf32, #tpu.memory_space<vmem>>
        %dma_wait3A_129 = arith.constant 0 : i32
        %dma_wait3A_130 = tpu.memref_slice %arg0[%mul3A_120, %dma_wait3A_129] : memref<16384x2048xf32, #tpu.memory_space<any>> -> memref<512x2048xf32, #tpu.memory_space<any>>
        tpu.wait_dma2 semaphore(%dma_wait3A_124 : memref<!tpu.dma_semaphore, #tpu.memory_space<semaphore_mem>>) src(%dma_wait3A_130 : memref<512x2048xf32, #tpu.memory_space<any>>) dst(%dma_wait3A_128 : memref<512x2048xf32, #tpu.memory_space<vmem>>)
        %get3A = arith.constant 2 : index
        %get3A_131 = arith.constant 0 : index
        %get3A_132 = arith.constant 0 : index
        %get3A_133 = vector.load %arg5[%get3A, %get3A_131, %get3A_132] : memref<4x512x2048xf32, #tpu.memory_space<vmem>>, vector<1x512x2048xf32>
        %get3A_134 = vector.shape_cast %get3A_133 : vector<1x512x2048xf32> to vector<512x2048xf32>
        %get3A_135 = arith.constant 0 : index
        %get3A_136 = arith.constant 0 : index
        %get3A_137 = vector.load %arg4[%get3A_135, %get3A_136] : memref<2048x16xf32, #tpu.memory_space<vmem>>, vector<2048x16xf32>
        %dot_general3A = arith.constant dense<0.000000e+00> : vector<512x16xf32>
        %dot_general3A_138 = tpu.matmul %get3A_134, %get3A_137, %dot_general3A {dimension_numbers = #tpu.dot_dimension_numbers<[1], [0], [0], [1], [0, 0, 1, 1], [], []>, transpose_lhs_hint = false} : vector<512x2048xf32>, vector<2048x16xf32>, vector<512x16xf32> -> vector<512x16xf32>
        %jit3A = arith.constant -5.000000e+01 : f32
        %jit3A_139 = arith.constant 5.000000e+01 : f32
        %max3A = vector.broadcast %jit3A : f32 to vector<512x16xf32>
        %max3A_140 = arith.maximumf %max3A, %dot_general3A_138 : vector<512x16xf32>
        %min3A = vector.broadcast %jit3A_139 : f32 to vector<512x16xf32>
        %min3A_141 = arith.minimumf %min3A, %max3A_140 : vector<512x16xf32>
        %rem3A_142 = arith.constant 2 : i32
        %rem3A_143 = arith.remsi %scan3A_94, %rem3A_142 : i32
        %eq3A_144 = arith.constant 0 : i32
        %eq3A_145 = arith.cmpi eq, %rem3A_143, %eq3A_144 : i32
        %convert_element_type3A_146 = arith.extui %eq3A_145 : i1 to i32
        %cond3A_147 = arith.constant 0 : i32
        %cond3A_148 = arith.cmpi ne, %convert_element_type3A_146, %cond3A_147 : i32
        scf.if %cond3A_148 {
          %ge3A = arith.constant 2 : i32
          %ge3A_162 = arith.cmpi sge, %scan3A_94, %ge3A : i32
          %convert_element_type3A_163 = arith.extui %ge3A_162 : i1 to i32
          %cond3A_164 = arith.constant 0 : i32
          %cond3A_165 = arith.cmpi ne, %convert_element_type3A_163, %cond3A_164 : i32
          scf.if %cond3A_165 {
            %sub3A = arith.constant 2 : i32
            %sub3A_203 = arith.subi %scan3A_94, %sub3A : i32
            %mul3A_204 = arith.constant 512 : i32
            %mul3A_205 = arith.muli %sub3A_203, %mul3A_204 : i32
            %dma_wait3A_206 = arith.constant 0 : i32
            %dma_wait3A_207 = arith.constant 0 : i32
            %dma_wait3A_208 = arith.constant 0 : i32
            %dma_wait3A_209 = tpu.memref_slice %arg9[%dma_wait3A_207, %dma_wait3A_208] : memref<2x2x!tpu.dma_semaphore, #tpu.memory_space<semaphore_mem>> -> memref<1x1x!tpu.dma_semaphore, #tpu.memory_space<semaphore_mem>>
            %dma_wait3A_210 = tpu.memref_squeeze %dma_wait3A_209 : memref<1x1x!tpu.dma_semaphore, #tpu.memory_space<semaphore_mem>> -> memref<!tpu.dma_semaphore, #tpu.memory_space<semaphore_mem>>
            %dma_wait3A_211 = arith.constant 0 : i32
            %dma_wait3A_212 = tpu.memref_slice %arg2[%mul3A_205, %dma_wait3A_211] : memref<16384x16xf32, #tpu.memory_space<any>> -> memref<512x16xf32, #tpu.memory_space<any>>
            %dma_wait3A_213 = arith.constant 0 : i32
            %dma_wait3A_214 = arith.constant 0 : i32
            %dma_wait3A_215 = tpu.memref_slice %arg6[%dma_wait3A_206, %dma_wait3A_213, %dma_wait3A_214] : memref<2x512x16xf32, #tpu.memory_space<vmem>> -> memref<1x512x16xf32, #tpu.memory_space<vmem>>
            %dma_wait3A_216 = tpu.memref_squeeze %dma_wait3A_215 : memref<1x512x16xf32, #tpu.memory_space<vmem>> -> memref<512x16xf32, #tpu.memory_space<vmem>>
            tpu.wait_dma2 semaphore(%dma_wait3A_210 : memref<!tpu.dma_semaphore, #tpu.memory_space<semaphore_mem>>) src(%dma_wait3A_216 : memref<512x16xf32, #tpu.memory_space<vmem>>) dst(%dma_wait3A_212 : memref<512x16xf32, #tpu.memory_space<any>>)
            %sub3A_217 = arith.constant 2 : i32
            %sub3A_218 = arith.subi %scan3A_94, %sub3A_217 : i32
            %mul3A_219 = arith.constant 512 : i32
            %mul3A_220 = arith.muli %sub3A_218, %mul3A_219 : i32
            %dma_wait3A_221 = arith.constant 0 : i32
            %dma_wait3A_222 = arith.constant 0 : i32
            %dma_wait3A_223 = arith.constant 1 : i32
            %dma_wait3A_224 = tpu.memref_slice %arg9[%dma_wait3A_222, %dma_wait3A_223] : memref<2x2x!tpu.dma_semaphore, #tpu.memory_space<semaphore_mem>> -> memref<1x1x!tpu.dma_semaphore, #tpu.memory_space<semaphore_mem>>
            %dma_wait3A_225 = tpu.memref_squeeze %dma_wait3A_224 : memref<1x1x!tpu.dma_semaphore, #tpu.memory_space<semaphore_mem>> -> memref<!tpu.dma_semaphore, #tpu.memory_space<semaphore_mem>>
            %dma_wait3A_226 = arith.constant 0 : i32
            %dma_wait3A_227 = tpu.memref_slice %arg3[%dma_wait3A_226, %mul3A_220] : memref<16x16384xf32, #tpu.memory_space<any>> -> memref<16x512xf32, #tpu.memory_space<any>>
            %dma_wait3A_228 = arith.constant 0 : i32
            %dma_wait3A_229 = arith.constant 0 : i32
            %dma_wait3A_230 = tpu.memref_slice %arg7[%dma_wait3A_221, %dma_wait3A_228, %dma_wait3A_229] : memref<2x16x512xf32, #tpu.memory_space<vmem>> -> memref<1x16x512xf32, #tpu.memory_space<vmem>>
            %dma_wait3A_231 = tpu.memref_squeeze %dma_wait3A_230 : memref<1x16x512xf32, #tpu.memory_space<vmem>> -> memref<16x512xf32, #tpu.memory_space<vmem>>
            tpu.wait_dma2 semaphore(%dma_wait3A_225 : memref<!tpu.dma_semaphore, #tpu.memory_space<semaphore_mem>>) src(%dma_wait3A_231 : memref<16x512xf32, #tpu.memory_space<vmem>>) dst(%dma_wait3A_227 : memref<16x512xf32, #tpu.memory_space<any>>)
          } else {
          }
          %swap3A = arith.constant 0 : index
          %swap3A_166 = arith.constant 0 : index
          %swap3A_167 = arith.constant 0 : index
          %swap3A_168 = vector.load %arg6[%swap3A, %swap3A_166, %swap3A_167] : memref<2x512x16xf32, #tpu.memory_space<vmem>>, vector<1x512x16xf32>
          %swap3A_169 = vector.shape_cast %swap3A_168 : vector<1x512x16xf32> to vector<512x16xf32>
          %swap3A_170 = vector.shape_cast %min3A_141 : vector<512x16xf32> to vector<1x512x16xf32>
          tpu.vector_store %arg6[%swap3A, %swap3A_166, %swap3A_167], %swap3A_170 {strides = array<i32>} : memref<2x512x16xf32, #tpu.memory_space<vmem>>, vector<1x512x16xf32>,
          %transpose3A = tpu.transpose %min3A_141, [1, 0] : vector<512x16xf32> -> vector<16x512xf32>
          %swap3A_171 = arith.constant 0 : index
          %swap3A_172 = arith.constant 0 : index
          %swap3A_173 = arith.constant 0 : index
          %swap3A_174 = vector.load %arg7[%swap3A_171, %swap3A_172, %swap3A_173] : memref<2x16x512xf32, #tpu.memory_space<vmem>>, vector<1x16x512xf32>
          %swap3A_175 = vector.shape_cast %swap3A_174 : vector<1x16x512xf32> to vector<16x512xf32>
          %swap3A_176 = vector.shape_cast %transpose3A : vector<16x512xf32> to vector<1x16x512xf32>
          tpu.vector_store %arg7[%swap3A_171, %swap3A_172, %swap3A_173], %swap3A_176 {strides = array<i32>} : memref<2x16x512xf32, #tpu.memory_space<vmem>>, vector<1x16x512xf32>,
          %mul3A_177 = arith.constant 512 : i32
          %mul3A_178 = arith.muli %scan3A_94, %mul3A_177 : i32
          %dma_start3A_179 = arith.constant 0 : i32
          %dma_start3A_180 = arith.constant 0 : i32
          %dma_start3A_181 = arith.constant 0 : i32
          %dma_start3A_182 = tpu.memref_slice %arg9[%dma_start3A_180, %dma_start3A_181] : memref<2x2x!tpu.dma_semaphore, #tpu.memory_space<semaphore_mem>> -> memref<1x1x!tpu.dma_semaphore, #tpu.memory_space<semaphore_mem>>
          %dma_start3A_183 = tpu.memref_squeeze %dma_start3A_182 : memref<1x1x!tpu.dma_semaphore, #tpu.memory_space<semaphore_mem>> -> memref<!tpu.dma_semaphore, #tpu.memory_space<semaphore_mem>>
          %dma_start3A_184 = arith.constant 0 : i32
          %dma_start3A_185 = tpu.memref_slice %arg2[%mul3A_178, %dma_start3A_184] : memref<16384x16xf32, #tpu.memory_space<any>> -> memref<512x16xf32, #tpu.memory_space<any>>
          %dma_start3A_186 = arith.constant 0 : i32
          %dma_start3A_187 = arith.constant 0 : i32
          %dma_start3A_188 = tpu.memref_slice %arg6[%dma_start3A_179, %dma_start3A_186, %dma_start3A_187] : memref<2x512x16xf32, #tpu.memory_space<vmem>> -> memref<1x512x16xf32, #tpu.memory_space<vmem>>
          %dma_start3A_189 = tpu.memref_squeeze %dma_start3A_188 : memref<1x512x16xf32, #tpu.memory_space<vmem>> -> memref<512x16xf32, #tpu.memory_space<vmem>>
          tpu.enqueue_dma source(%dma_start3A_189 : memref<512x16xf32, #tpu.memory_space<vmem>>) target(%dma_start3A_185 : memref<512x16xf32, #tpu.memory_space<any>>) target_semaphore(%dma_start3A_183 : memref<!tpu.dma_semaphore, #tpu.memory_space<semaphore_mem>>)
          %mul3A_190 = arith.constant 512 : i32
          %mul3A_191 = arith.muli %scan3A_94, %mul3A_190 : i32
          %dma_start3A_192 = arith.constant 0 : i32
          %dma_start3A_193 = arith.constant 0 : i32
          %dma_start3A_194 = arith.constant 1 : i32
          %dma_start3A_195 = tpu.memref_slice %arg9[%dma_start3A_193, %dma_start3A_194] : memref<2x2x!tpu.dma_semaphore, #tpu.memory_space<semaphore_mem>> -> memref<1x1x!tpu.dma_semaphore, #tpu.memory_space<semaphore_mem>>
          %dma_start3A_196 = tpu.memref_squeeze %dma_start3A_195 : memref<1x1x!tpu.dma_semaphore, #tpu.memory_space<semaphore_mem>> -> memref<!tpu.dma_semaphore, #tpu.memory_space<semaphore_mem>>
          %dma_start3A_197 = arith.constant 0 : i32
          %dma_start3A_198 = tpu.memref_slice %arg3[%dma_start3A_197, %mul3A_191] : memref<16x16384xf32, #tpu.memory_space<any>> -> memref<16x512xf32, #tpu.memory_space<any>>
          %dma_start3A_199 = arith.constant 0 : i32
          %dma_start3A_200 = arith.constant 0 : i32
          %dma_start3A_201 = tpu.memref_slice %arg7[%dma_start3A_192, %dma_start3A_199, %dma_start3A_200] : memref<2x16x512xf32, #tpu.memory_space<vmem>> -> memref<1x16x512xf32, #tpu.memory_space<vmem>>
          %dma_start3A_202 = tpu.memref_squeeze %dma_start3A_201 : memref<1x16x512xf32, #tpu.memory_space<vmem>> -> memref<16x512xf32, #tpu.memory_space<vmem>>
          tpu.enqueue_dma source(%dma_start3A_202 : memref<16x512xf32, #tpu.memory_space<vmem>>) target(%dma_start3A_198 : memref<16x512xf32, #tpu.memory_space<any>>) target_semaphore(%dma_start3A_196 : memref<!tpu.dma_semaphore, #tpu.memory_space<semaphore_mem>>)
        } else {
        }
        %rem3A_149 = arith.constant 2 : i32
        %rem3A_150 = arith.remsi %scan3A_94, %rem3A_149 : i32
        %eq3A_151 = arith.constant 1 : i32
        %eq3A_152 = arith.cmpi eq, %rem3A_150, %eq3A_151 : i32
        %convert_element_type3A_153 = arith.extui %eq3A_152 : i1 to i32
        %cond3A_154 = arith.constant 0 : i32
        %cond3A_155 = arith.cmpi ne, %convert_element_type3A_153, %cond3A_154 : i32
        scf.if %cond3A_155 {
          %ge3A = arith.constant 2 : i32
          %ge3A_162 = arith.cmpi sge, %scan3A_94, %ge3A : i32
          %convert_element_type3A_163 = arith.extui %ge3A_162 : i1 to i32
          %cond3A_164 = arith.constant 0 : i32
          %cond3A_165 = arith.cmpi ne, %convert_element_type3A_163, %cond3A_164 : i32
          scf.if %cond3A_165 {
            %sub3A = arith.constant 2 : i32
            %sub3A_203 = arith.subi %scan3A_94, %sub3A : i32
            %mul3A_204 = arith.constant 512 : i32
            %mul3A_205 = arith.muli %sub3A_203, %mul3A_204 : i32
            %dma_wait3A_206 = arith.constant 1 : i32
            %dma_wait3A_207 = arith.constant 1 : i32
            %dma_wait3A_208 = arith.constant 0 : i32
            %dma_wait3A_209 = tpu.memref_slice %arg9[%dma_wait3A_207, %dma_wait3A_208] : memref<2x2x!tpu.dma_semaphore, #tpu.memory_space<semaphore_mem>> -> memref<1x1x!tpu.dma_semaphore, #tpu.memory_space<semaphore_mem>>
            %dma_wait3A_210 = tpu.memref_squeeze %dma_wait3A_209 : memref<1x1x!tpu.dma_semaphore, #tpu.memory_space<semaphore_mem>> -> memref<!tpu.dma_semaphore, #tpu.memory_space<semaphore_mem>>
            %dma_wait3A_211 = arith.constant 0 : i32
            %dma_wait3A_212 = tpu.memref_slice %arg2[%mul3A_205, %dma_wait3A_211] : memref<16384x16xf32, #tpu.memory_space<any>> -> memref<512x16xf32, #tpu.memory_space<any>>
            %dma_wait3A_213 = arith.constant 0 : i32
            %dma_wait3A_214 = arith.constant 0 : i32
            %dma_wait3A_215 = tpu.memref_slice %arg6[%dma_wait3A_206, %dma_wait3A_213, %dma_wait3A_214] : memref<2x512x16xf32, #tpu.memory_space<vmem>> -> memref<1x512x16xf32, #tpu.memory_space<vmem>>
            %dma_wait3A_216 = tpu.memref_squeeze %dma_wait3A_215 : memref<1x512x16xf32, #tpu.memory_space<vmem>> -> memref<512x16xf32, #tpu.memory_space<vmem>>
            tpu.wait_dma2 semaphore(%dma_wait3A_210 : memref<!tpu.dma_semaphore, #tpu.memory_space<semaphore_mem>>) src(%dma_wait3A_216 : memref<512x16xf32, #tpu.memory_space<vmem>>) dst(%dma_wait3A_212 : memref<512x16xf32, #tpu.memory_space<any>>)
            %sub3A_217 = arith.constant 2 : i32
            %sub3A_218 = arith.subi %scan3A_94, %sub3A_217 : i32
            %mul3A_219 = arith.constant 512 : i32
            %mul3A_220 = arith.muli %sub3A_218, %mul3A_219 : i32
            %dma_wait3A_221 = arith.constant 1 : i32
            %dma_wait3A_222 = arith.constant 1 : i32
            %dma_wait3A_223 = arith.constant 1 : i32
            %dma_wait3A_224 = tpu.memref_slice %arg9[%dma_wait3A_222, %dma_wait3A_223] : memref<2x2x!tpu.dma_semaphore, #tpu.memory_space<semaphore_mem>> -> memref<1x1x!tpu.dma_semaphore, #tpu.memory_space<semaphore_mem>>
            %dma_wait3A_225 = tpu.memref_squeeze %dma_wait3A_224 : memref<1x1x!tpu.dma_semaphore, #tpu.memory_space<semaphore_mem>> -> memref<!tpu.dma_semaphore, #tpu.memory_space<semaphore_mem>>
            %dma_wait3A_226 = arith.constant 0 : i32
            %dma_wait3A_227 = tpu.memref_slice %arg3[%dma_wait3A_226, %mul3A_220] : memref<16x16384xf32, #tpu.memory_space<any>> -> memref<16x512xf32, #tpu.memory_space<any>>
            %dma_wait3A_228 = arith.constant 0 : i32
            %dma_wait3A_229 = arith.constant 0 : i32
            %dma_wait3A_230 = tpu.memref_slice %arg7[%dma_wait3A_221, %dma_wait3A_228, %dma_wait3A_229] : memref<2x16x512xf32, #tpu.memory_space<vmem>> -> memref<1x16x512xf32, #tpu.memory_space<vmem>>
            %dma_wait3A_231 = tpu.memref_squeeze %dma_wait3A_230 : memref<1x16x512xf32, #tpu.memory_space<vmem>> -> memref<16x512xf32, #tpu.memory_space<vmem>>
            tpu.wait_dma2 semaphore(%dma_wait3A_225 : memref<!tpu.dma_semaphore, #tpu.memory_space<semaphore_mem>>) src(%dma_wait3A_231 : memref<16x512xf32, #tpu.memory_space<vmem>>) dst(%dma_wait3A_227 : memref<16x512xf32, #tpu.memory_space<any>>)
          } else {
          }
          %swap3A = arith.constant 1 : index
          %swap3A_166 = arith.constant 0 : index
          %swap3A_167 = arith.constant 0 : index
          %swap3A_168 = vector.load %arg6[%swap3A, %swap3A_166, %swap3A_167] : memref<2x512x16xf32, #tpu.memory_space<vmem>>, vector<1x512x16xf32>
          %swap3A_169 = vector.shape_cast %swap3A_168 : vector<1x512x16xf32> to vector<512x16xf32>
          %swap3A_170 = vector.shape_cast %min3A_141 : vector<512x16xf32> to vector<1x512x16xf32>
          tpu.vector_store %arg6[%swap3A, %swap3A_166, %swap3A_167], %swap3A_170 {strides = array<i32>} : memref<2x512x16xf32, #tpu.memory_space<vmem>>, vector<1x512x16xf32>,
          %transpose3A = tpu.transpose %min3A_141, [1, 0] : vector<512x16xf32> -> vector<16x512xf32>
          %swap3A_171 = arith.constant 1 : index
          %swap3A_172 = arith.constant 0 : index
          %swap3A_173 = arith.constant 0 : index
          %swap3A_174 = vector.load %arg7[%swap3A_171, %swap3A_172, %swap3A_173] : memref<2x16x512xf32, #tpu.memory_space<vmem>>, vector<1x16x512xf32>
          %swap3A_175 = vector.shape_cast %swap3A_174 : vector<1x16x512xf32> to vector<16x512xf32>
          %swap3A_176 = vector.shape_cast %transpose3A : vector<16x512xf32> to vector<1x16x512xf32>
          tpu.vector_store %arg7[%swap3A_171, %swap3A_172, %swap3A_173], %swap3A_176 {strides = array<i32>} : memref<2x16x512xf32, #tpu.memory_space<vmem>>, vector<1x16x512xf32>,
          %mul3A_177 = arith.constant 512 : i32
          %mul3A_178 = arith.muli %scan3A_94, %mul3A_177 : i32
          %dma_start3A_179 = arith.constant 1 : i32
          %dma_start3A_180 = arith.constant 1 : i32
          %dma_start3A_181 = arith.constant 0 : i32
          %dma_start3A_182 = tpu.memref_slice %arg9[%dma_start3A_180, %dma_start3A_181] : memref<2x2x!tpu.dma_semaphore, #tpu.memory_space<semaphore_mem>> -> memref<1x1x!tpu.dma_semaphore, #tpu.memory_space<semaphore_mem>>
          %dma_start3A_183 = tpu.memref_squeeze %dma_start3A_182 : memref<1x1x!tpu.dma_semaphore, #tpu.memory_space<semaphore_mem>> -> memref<!tpu.dma_semaphore, #tpu.memory_space<semaphore_mem>>
          %dma_start3A_184 = arith.constant 0 : i32
          %dma_start3A_185 = tpu.memref_slice %arg2[%mul3A_178, %dma_start3A_184] : memref<16384x16xf32, #tpu.memory_space<any>> -> memref<512x16xf32, #tpu.memory_space<any>>
          %dma_start3A_186 = arith.constant 0 : i32
          %dma_start3A_187 = arith.constant 0 : i32
          %dma_start3A_188 = tpu.memref_slice %arg6[%dma_start3A_179, %dma_start3A_186, %dma_start3A_187] : memref<2x512x16xf32, #tpu.memory_space<vmem>> -> memref<1x512x16xf32, #tpu.memory_space<vmem>>
          %dma_start3A_189 = tpu.memref_squeeze %dma_start3A_188 : memref<1x512x16xf32, #tpu.memory_space<vmem>> -> memref<512x16xf32, #tpu.memory_space<vmem>>
          tpu.enqueue_dma source(%dma_start3A_189 : memref<512x16xf32, #tpu.memory_space<vmem>>) target(%dma_start3A_185 : memref<512x16xf32, #tpu.memory_space<any>>) target_semaphore(%dma_start3A_183 : memref<!tpu.dma_semaphore, #tpu.memory_space<semaphore_mem>>)
          %mul3A_190 = arith.constant 512 : i32
          %mul3A_191 = arith.muli %scan3A_94, %mul3A_190 : i32
          %dma_start3A_192 = arith.constant 1 : i32
          %dma_start3A_193 = arith.constant 1 : i32
          %dma_start3A_194 = arith.constant 1 : i32
          %dma_start3A_195 = tpu.memref_slice %arg9[%dma_start3A_193, %dma_start3A_194] : memref<2x2x!tpu.dma_semaphore, #tpu.memory_space<semaphore_mem>> -> memref<1x1x!tpu.dma_semaphore, #tpu.memory_space<semaphore_mem>>
          %dma_start3A_196 = tpu.memref_squeeze %dma_start3A_195 : memref<1x1x!tpu.dma_semaphore, #tpu.memory_space<semaphore_mem>> -> memref<!tpu.dma_semaphore, #tpu.memory_space<semaphore_mem>>
          %dma_start3A_197 = arith.constant 0 : i32
          %dma_start3A_198 = tpu.memref_slice %arg3[%dma_start3A_197, %mul3A_191] : memref<16x16384xf32, #tpu.memory_space<any>> -> memref<16x512xf32, #tpu.memory_space<any>>
          %dma_start3A_199 = arith.constant 0 : i32
          %dma_start3A_200 = arith.constant 0 : i32
          %dma_start3A_201 = tpu.memref_slice %arg7[%dma_start3A_192, %dma_start3A_199, %dma_start3A_200] : memref<2x16x512xf32, #tpu.memory_space<vmem>> -> memref<1x16x512xf32, #tpu.memory_space<vmem>>
          %dma_start3A_202 = tpu.memref_squeeze %dma_start3A_201 : memref<1x16x512xf32, #tpu.memory_space<vmem>> -> memref<16x512xf32, #tpu.memory_space<vmem>>
          tpu.enqueue_dma source(%dma_start3A_202 : memref<16x512xf32, #tpu.memory_space<vmem>>) target(%dma_start3A_198 : memref<16x512xf32, #tpu.memory_space<any>>) target_semaphore(%dma_start3A_196 : memref<!tpu.dma_semaphore, #tpu.memory_space<semaphore_mem>>)
        } else {
        }
        %add3A_156 = arith.constant 4 : i32
        %add3A_157 = arith.addi %scan3A_94, %add3A_156 : i32
        %lt3A = arith.constant 32 : i32
        %lt3A_158 = arith.cmpi slt, %add3A_157, %lt3A : i32
        %convert_element_type3A_159 = arith.extui %lt3A_158 : i1 to i32
        %cond3A_160 = arith.constant 0 : i32
        %cond3A_161 = arith.cmpi ne, %convert_element_type3A_159, %cond3A_160 : i32
        scf.if %cond3A_161 {
          %add3A_162 = arith.constant 4 : i32
          %add3A_163 = arith.addi %scan3A_94, %add3A_162 : i32
          %add3A_164 = arith.constant 0 : i32
          %add3A_165 = arith.addi %add3A_164, %add3A_163 : i32
          %mul3A_166 = arith.constant 512 : i32
          %mul3A_167 = arith.muli %add3A_165, %mul3A_166 : i32
          %dma_start3A_168 = arith.constant 2 : i32
          %dma_start3A_169 = arith.constant 2 : i32
          %dma_start3A_170 = tpu.memref_slice %arg8[%dma_start3A_169] : memref<4x!tpu.dma_semaphore, #tpu.memory_space<semaphore_mem>> -> memref<1x!tpu.dma_semaphore, #tpu.memory_space<semaphore_mem>>
          %dma_start3A_171 = tpu.memref_squeeze %dma_start3A_170 : memref<1x!tpu.dma_semaphore, #tpu.memory_space<semaphore_mem>> -> memref<!tpu.dma_semaphore, #tpu.memory_space<semaphore_mem>>
          %dma_start3A_172 = arith.constant 0 : i32
          %dma_start3A_173 = arith.constant 0 : i32
          %dma_start3A_174 = tpu.memref_slice %arg5[%dma_start3A_168, %dma_start3A_172, %dma_start3A_173] : memref<4x512x2048xf32, #tpu.memory_space<vmem>> -> memref<1x512x2048xf32, #tpu.memory_space<vmem>>
          %dma_start3A_175 = tpu.memref_squeeze %dma_start3A_174 : memref<1x512x2048xf32, #tpu.memory_space<vmem>> -> memref<512x2048xf32, #tpu.memory_space<vmem>>
          %dma_start3A_176 = arith.constant 0 : i32
          %dma_start3A_177 = tpu.memref_slice %arg0[%mul3A_167, %dma_start3A_176] : memref<16384x2048xf32, #tpu.memory_space<any>> -> memref<512x2048xf32, #tpu.memory_space<any>>
          tpu.enqueue_dma source(%dma_start3A_177 : memref<512x2048xf32, #tpu.memory_space<any>>) target(%dma_start3A_175 : memref<512x2048xf32, #tpu.memory_space<vmem>>) target_semaphore(%dma_start3A_171 : memref<!tpu.dma_semaphore, #tpu.memory_space<semaphore_mem>>)
        } else {
        }
      } else {
      }
      %rem3A_112 = arith.constant 4 : i32
      %rem3A_113 = arith.remsi %scan3A_94, %rem3A_112 : i32
      %eq3A_114 = arith.constant 3 : i32
      %eq3A_115 = arith.cmpi eq, %rem3A_113, %eq3A_114 : i32
      %convert_element_type3A_116 = arith.extui %eq3A_115 : i1 to i32
      %cond3A_117 = arith.constant 0 : i32
      %cond3A_118 = arith.cmpi ne, %convert_element_type3A_116, %cond3A_117 : i32
      scf.if %cond3A_118 {
        %add3A = arith.constant 0 : i32
        %add3A_119 = arith.addi %add3A, %scan3A_94 : i32
        %mul3A = arith.constant 512 : i32
        %mul3A_120 = arith.muli %add3A_119, %mul3A : i32
        %dma_wait3A_121 = arith.constant 3 : i32
        %dma_wait3A_122 = arith.constant 3 : i32
        %dma_wait3A_123 = tpu.memref_slice %arg8[%dma_wait3A_122] : memref<4x!tpu.dma_semaphore, #tpu.memory_space<semaphore_mem>> -> memref<1x!tpu.dma_semaphore, #tpu.memory_space<semaphore_mem>>
        %dma_wait3A_124 = tpu.memref_squeeze %dma_wait3A_123 : memref<1x!tpu.dma_semaphore, #tpu.memory_space<semaphore_mem>> -> memref<!tpu.dma_semaphore, #tpu.memory_space<semaphore_mem>>
        %dma_wait3A_125 = arith.constant 0 : i32
        %dma_wait3A_126 = arith.constant 0 : i32
        %dma_wait3A_127 = tpu.memref_slice %arg5[%dma_wait3A_121, %dma_wait3A_125, %dma_wait3A_126] : memref<4x512x2048xf32, #tpu.memory_space<vmem>> -> memref<1x512x2048xf32, #tpu.memory_space<vmem>>
        %dma_wait3A_128 = tpu.memref_squeeze %dma_wait3A_127 : memref<1x512x2048xf32, #tpu.memory_space<vmem>> -> memref<512x2048xf32, #tpu.memory_space<vmem>>
        %dma_wait3A_129 = arith.constant 0 : i32
        %dma_wait3A_130 = tpu.memref_slice %arg0[%mul3A_120, %dma_wait3A_129] : memref<16384x2048xf32, #tpu.memory_space<any>> -> memref<512x2048xf32, #tpu.memory_space<any>>
        tpu.wait_dma2 semaphore(%dma_wait3A_124 : memref<!tpu.dma_semaphore, #tpu.memory_space<semaphore_mem>>) src(%dma_wait3A_130 : memref<512x2048xf32, #tpu.memory_space<any>>) dst(%dma_wait3A_128 : memref<512x2048xf32, #tpu.memory_space<vmem>>)
        %get3A = arith.constant 3 : index
        %get3A_131 = arith.constant 0 : index
        %get3A_132 = arith.constant 0 : index
        %get3A_133 = vector.load %arg5[%get3A, %get3A_131, %get3A_132] : memref<4x512x2048xf32, #tpu.memory_space<vmem>>, vector<1x512x2048xf32>
        %get3A_134 = vector.shape_cast %get3A_133 : vector<1x512x2048xf32> to vector<512x2048xf32>
        %get3A_135 = arith.constant 0 : index
        %get3A_136 = arith.constant 0 : index
        %get3A_137 = vector.load %arg4[%get3A_135, %get3A_136] : memref<2048x16xf32, #tpu.memory_space<vmem>>, vector<2048x16xf32>
        %dot_general3A = arith.constant dense<0.000000e+00> : vector<512x16xf32>
        %dot_general3A_138 = tpu.matmul %get3A_134, %get3A_137, %dot_general3A {dimension_numbers = #tpu.dot_dimension_numbers<[1], [0], [0], [1], [0, 0, 1, 1], [], []>, transpose_lhs_hint = false} : vector<512x2048xf32>, vector<2048x16xf32>, vector<512x16xf32> -> vector<512x16xf32>
        %jit3A = arith.constant -5.000000e+01 : f32
        %jit3A_139 = arith.constant 5.000000e+01 : f32
        %max3A = vector.broadcast %jit3A : f32 to vector<512x16xf32>
        %max3A_140 = arith.maximumf %max3A, %dot_general3A_138 : vector<512x16xf32>
        %min3A = vector.broadcast %jit3A_139 : f32 to vector<512x16xf32>
        %min3A_141 = arith.minimumf %min3A, %max3A_140 : vector<512x16xf32>
        %rem3A_142 = arith.constant 2 : i32
        %rem3A_143 = arith.remsi %scan3A_94, %rem3A_142 : i32
        %eq3A_144 = arith.constant 0 : i32
        %eq3A_145 = arith.cmpi eq, %rem3A_143, %eq3A_144 : i32
        %convert_element_type3A_146 = arith.extui %eq3A_145 : i1 to i32
        %cond3A_147 = arith.constant 0 : i32
        %cond3A_148 = arith.cmpi ne, %convert_element_type3A_146, %cond3A_147 : i32
        scf.if %cond3A_148 {
          %ge3A = arith.constant 2 : i32
          %ge3A_162 = arith.cmpi sge, %scan3A_94, %ge3A : i32
          %convert_element_type3A_163 = arith.extui %ge3A_162 : i1 to i32
          %cond3A_164 = arith.constant 0 : i32
          %cond3A_165 = arith.cmpi ne, %convert_element_type3A_163, %cond3A_164 : i32
          scf.if %cond3A_165 {
            %sub3A = arith.constant 2 : i32
            %sub3A_203 = arith.subi %scan3A_94, %sub3A : i32
            %mul3A_204 = arith.constant 512 : i32
            %mul3A_205 = arith.muli %sub3A_203, %mul3A_204 : i32
            %dma_wait3A_206 = arith.constant 0 : i32
            %dma_wait3A_207 = arith.constant 0 : i32
            %dma_wait3A_208 = arith.constant 0 : i32
            %dma_wait3A_209 = tpu.memref_slice %arg9[%dma_wait3A_207, %dma_wait3A_208] : memref<2x2x!tpu.dma_semaphore, #tpu.memory_space<semaphore_mem>> -> memref<1x1x!tpu.dma_semaphore, #tpu.memory_space<semaphore_mem>>
            %dma_wait3A_210 = tpu.memref_squeeze %dma_wait3A_209 : memref<1x1x!tpu.dma_semaphore, #tpu.memory_space<semaphore_mem>> -> memref<!tpu.dma_semaphore, #tpu.memory_space<semaphore_mem>>
            %dma_wait3A_211 = arith.constant 0 : i32
            %dma_wait3A_212 = tpu.memref_slice %arg2[%mul3A_205, %dma_wait3A_211] : memref<16384x16xf32, #tpu.memory_space<any>> -> memref<512x16xf32, #tpu.memory_space<any>>
            %dma_wait3A_213 = arith.constant 0 : i32
            %dma_wait3A_214 = arith.constant 0 : i32
            %dma_wait3A_215 = tpu.memref_slice %arg6[%dma_wait3A_206, %dma_wait3A_213, %dma_wait3A_214] : memref<2x512x16xf32, #tpu.memory_space<vmem>> -> memref<1x512x16xf32, #tpu.memory_space<vmem>>
            %dma_wait3A_216 = tpu.memref_squeeze %dma_wait3A_215 : memref<1x512x16xf32, #tpu.memory_space<vmem>> -> memref<512x16xf32, #tpu.memory_space<vmem>>
            tpu.wait_dma2 semaphore(%dma_wait3A_210 : memref<!tpu.dma_semaphore, #tpu.memory_space<semaphore_mem>>) src(%dma_wait3A_216 : memref<512x16xf32, #tpu.memory_space<vmem>>) dst(%dma_wait3A_212 : memref<512x16xf32, #tpu.memory_space<any>>)
            %sub3A_217 = arith.constant 2 : i32
            %sub3A_218 = arith.subi %scan3A_94, %sub3A_217 : i32
            %mul3A_219 = arith.constant 512 : i32
            %mul3A_220 = arith.muli %sub3A_218, %mul3A_219 : i32
            %dma_wait3A_221 = arith.constant 0 : i32
            %dma_wait3A_222 = arith.constant 0 : i32
            %dma_wait3A_223 = arith.constant 1 : i32
            %dma_wait3A_224 = tpu.memref_slice %arg9[%dma_wait3A_222, %dma_wait3A_223] : memref<2x2x!tpu.dma_semaphore, #tpu.memory_space<semaphore_mem>> -> memref<1x1x!tpu.dma_semaphore, #tpu.memory_space<semaphore_mem>>
            %dma_wait3A_225 = tpu.memref_squeeze %dma_wait3A_224 : memref<1x1x!tpu.dma_semaphore, #tpu.memory_space<semaphore_mem>> -> memref<!tpu.dma_semaphore, #tpu.memory_space<semaphore_mem>>
            %dma_wait3A_226 = arith.constant 0 : i32
            %dma_wait3A_227 = tpu.memref_slice %arg3[%dma_wait3A_226, %mul3A_220] : memref<16x16384xf32, #tpu.memory_space<any>> -> memref<16x512xf32, #tpu.memory_space<any>>
            %dma_wait3A_228 = arith.constant 0 : i32
            %dma_wait3A_229 = arith.constant 0 : i32
            %dma_wait3A_230 = tpu.memref_slice %arg7[%dma_wait3A_221, %dma_wait3A_228, %dma_wait3A_229] : memref<2x16x512xf32, #tpu.memory_space<vmem>> -> memref<1x16x512xf32, #tpu.memory_space<vmem>>
            %dma_wait3A_231 = tpu.memref_squeeze %dma_wait3A_230 : memref<1x16x512xf32, #tpu.memory_space<vmem>> -> memref<16x512xf32, #tpu.memory_space<vmem>>
            tpu.wait_dma2 semaphore(%dma_wait3A_225 : memref<!tpu.dma_semaphore, #tpu.memory_space<semaphore_mem>>) src(%dma_wait3A_231 : memref<16x512xf32, #tpu.memory_space<vmem>>) dst(%dma_wait3A_227 : memref<16x512xf32, #tpu.memory_space<any>>)
          } else {
          }
          %swap3A = arith.constant 0 : index
          %swap3A_166 = arith.constant 0 : index
          %swap3A_167 = arith.constant 0 : index
          %swap3A_168 = vector.load %arg6[%swap3A, %swap3A_166, %swap3A_167] : memref<2x512x16xf32, #tpu.memory_space<vmem>>, vector<1x512x16xf32>
          %swap3A_169 = vector.shape_cast %swap3A_168 : vector<1x512x16xf32> to vector<512x16xf32>
          %swap3A_170 = vector.shape_cast %min3A_141 : vector<512x16xf32> to vector<1x512x16xf32>
          tpu.vector_store %arg6[%swap3A, %swap3A_166, %swap3A_167], %swap3A_170 {strides = array<i32>} : memref<2x512x16xf32, #tpu.memory_space<vmem>>, vector<1x512x16xf32>,
          %transpose3A = tpu.transpose %min3A_141, [1, 0] : vector<512x16xf32> -> vector<16x512xf32>
          %swap3A_171 = arith.constant 0 : index
          %swap3A_172 = arith.constant 0 : index
          %swap3A_173 = arith.constant 0 : index
          %swap3A_174 = vector.load %arg7[%swap3A_171, %swap3A_172, %swap3A_173] : memref<2x16x512xf32, #tpu.memory_space<vmem>>, vector<1x16x512xf32>
          %swap3A_175 = vector.shape_cast %swap3A_174 : vector<1x16x512xf32> to vector<16x512xf32>
          %swap3A_176 = vector.shape_cast %transpose3A : vector<16x512xf32> to vector<1x16x512xf32>
          tpu.vector_store %arg7[%swap3A_171, %swap3A_172, %swap3A_173], %swap3A_176 {strides = array<i32>} : memref<2x16x512xf32, #tpu.memory_space<vmem>>, vector<1x16x512xf32>,
          %mul3A_177 = arith.constant 512 : i32
          %mul3A_178 = arith.muli %scan3A_94, %mul3A_177 : i32
          %dma_start3A_179 = arith.constant 0 : i32
          %dma_start3A_180 = arith.constant 0 : i32
          %dma_start3A_181 = arith.constant 0 : i32
          %dma_start3A_182 = tpu.memref_slice %arg9[%dma_start3A_180, %dma_start3A_181] : memref<2x2x!tpu.dma_semaphore, #tpu.memory_space<semaphore_mem>> -> memref<1x1x!tpu.dma_semaphore, #tpu.memory_space<semaphore_mem>>
          %dma_start3A_183 = tpu.memref_squeeze %dma_start3A_182 : memref<1x1x!tpu.dma_semaphore, #tpu.memory_space<semaphore_mem>> -> memref<!tpu.dma_semaphore, #tpu.memory_space<semaphore_mem>>
          %dma_start3A_184 = arith.constant 0 : i32
          %dma_start3A_185 = tpu.memref_slice %arg2[%mul3A_178, %dma_start3A_184] : memref<16384x16xf32, #tpu.memory_space<any>> -> memref<512x16xf32, #tpu.memory_space<any>>
          %dma_start3A_186 = arith.constant 0 : i32
          %dma_start3A_187 = arith.constant 0 : i32
          %dma_start3A_188 = tpu.memref_slice %arg6[%dma_start3A_179, %dma_start3A_186, %dma_start3A_187] : memref<2x512x16xf32, #tpu.memory_space<vmem>> -> memref<1x512x16xf32, #tpu.memory_space<vmem>>
          %dma_start3A_189 = tpu.memref_squeeze %dma_start3A_188 : memref<1x512x16xf32, #tpu.memory_space<vmem>> -> memref<512x16xf32, #tpu.memory_space<vmem>>
          tpu.enqueue_dma source(%dma_start3A_189 : memref<512x16xf32, #tpu.memory_space<vmem>>) target(%dma_start3A_185 : memref<512x16xf32, #tpu.memory_space<any>>) target_semaphore(%dma_start3A_183 : memref<!tpu.dma_semaphore, #tpu.memory_space<semaphore_mem>>)
          %mul3A_190 = arith.constant 512 : i32
          %mul3A_191 = arith.muli %scan3A_94, %mul3A_190 : i32
          %dma_start3A_192 = arith.constant 0 : i32
          %dma_start3A_193 = arith.constant 0 : i32
          %dma_start3A_194 = arith.constant 1 : i32
          %dma_start3A_195 = tpu.memref_slice %arg9[%dma_start3A_193, %dma_start3A_194] : memref<2x2x!tpu.dma_semaphore, #tpu.memory_space<semaphore_mem>> -> memref<1x1x!tpu.dma_semaphore, #tpu.memory_space<semaphore_mem>>
          %dma_start3A_196 = tpu.memref_squeeze %dma_start3A_195 : memref<1x1x!tpu.dma_semaphore, #tpu.memory_space<semaphore_mem>> -> memref<!tpu.dma_semaphore, #tpu.memory_space<semaphore_mem>>
          %dma_start3A_197 = arith.constant 0 : i32
          %dma_start3A_198 = tpu.memref_slice %arg3[%dma_start3A_197, %mul3A_191] : memref<16x16384xf32, #tpu.memory_space<any>> -> memref<16x512xf32, #tpu.memory_space<any>>
          %dma_start3A_199 = arith.constant 0 : i32
          %dma_start3A_200 = arith.constant 0 : i32
          %dma_start3A_201 = tpu.memref_slice %arg7[%dma_start3A_192, %dma_start3A_199, %dma_start3A_200] : memref<2x16x512xf32, #tpu.memory_space<vmem>> -> memref<1x16x512xf32, #tpu.memory_space<vmem>>
          %dma_start3A_202 = tpu.memref_squeeze %dma_start3A_201 : memref<1x16x512xf32, #tpu.memory_space<vmem>> -> memref<16x512xf32, #tpu.memory_space<vmem>>
          tpu.enqueue_dma source(%dma_start3A_202 : memref<16x512xf32, #tpu.memory_space<vmem>>) target(%dma_start3A_198 : memref<16x512xf32, #tpu.memory_space<any>>) target_semaphore(%dma_start3A_196 : memref<!tpu.dma_semaphore, #tpu.memory_space<semaphore_mem>>)
        } else {
        }
        %rem3A_149 = arith.constant 2 : i32
        %rem3A_150 = arith.remsi %scan3A_94, %rem3A_149 : i32
        %eq3A_151 = arith.constant 1 : i32
        %eq3A_152 = arith.cmpi eq, %rem3A_150, %eq3A_151 : i32
        %convert_element_type3A_153 = arith.extui %eq3A_152 : i1 to i32
        %cond3A_154 = arith.constant 0 : i32
        %cond3A_155 = arith.cmpi ne, %convert_element_type3A_153, %cond3A_154 : i32
        scf.if %cond3A_155 {
          %ge3A = arith.constant 2 : i32
          %ge3A_162 = arith.cmpi sge, %scan3A_94, %ge3A : i32
          %convert_element_type3A_163 = arith.extui %ge3A_162 : i1 to i32
          %cond3A_164 = arith.constant 0 : i32
          %cond3A_165 = arith.cmpi ne, %convert_element_type3A_163, %cond3A_164 : i32
          scf.if %cond3A_165 {
            %sub3A = arith.constant 2 : i32
            %sub3A_203 = arith.subi %scan3A_94, %sub3A : i32
            %mul3A_204 = arith.constant 512 : i32
            %mul3A_205 = arith.muli %sub3A_203, %mul3A_204 : i32
            %dma_wait3A_206 = arith.constant 1 : i32
            %dma_wait3A_207 = arith.constant 1 : i32
            %dma_wait3A_208 = arith.constant 0 : i32
            %dma_wait3A_209 = tpu.memref_slice %arg9[%dma_wait3A_207, %dma_wait3A_208] : memref<2x2x!tpu.dma_semaphore, #tpu.memory_space<semaphore_mem>> -> memref<1x1x!tpu.dma_semaphore, #tpu.memory_space<semaphore_mem>>
            %dma_wait3A_210 = tpu.memref_squeeze %dma_wait3A_209 : memref<1x1x!tpu.dma_semaphore, #tpu.memory_space<semaphore_mem>> -> memref<!tpu.dma_semaphore, #tpu.memory_space<semaphore_mem>>
            %dma_wait3A_211 = arith.constant 0 : i32
            %dma_wait3A_212 = tpu.memref_slice %arg2[%mul3A_205, %dma_wait3A_211] : memref<16384x16xf32, #tpu.memory_space<any>> -> memref<512x16xf32, #tpu.memory_space<any>>
            %dma_wait3A_213 = arith.constant 0 : i32
            %dma_wait3A_214 = arith.constant 0 : i32
            %dma_wait3A_215 = tpu.memref_slice %arg6[%dma_wait3A_206, %dma_wait3A_213, %dma_wait3A_214] : memref<2x512x16xf32, #tpu.memory_space<vmem>> -> memref<1x512x16xf32, #tpu.memory_space<vmem>>
            %dma_wait3A_216 = tpu.memref_squeeze %dma_wait3A_215 : memref<1x512x16xf32, #tpu.memory_space<vmem>> -> memref<512x16xf32, #tpu.memory_space<vmem>>
            tpu.wait_dma2 semaphore(%dma_wait3A_210 : memref<!tpu.dma_semaphore, #tpu.memory_space<semaphore_mem>>) src(%dma_wait3A_216 : memref<512x16xf32, #tpu.memory_space<vmem>>) dst(%dma_wait3A_212 : memref<512x16xf32, #tpu.memory_space<any>>)
            %sub3A_217 = arith.constant 2 : i32
            %sub3A_218 = arith.subi %scan3A_94, %sub3A_217 : i32
            %mul3A_219 = arith.constant 512 : i32
            %mul3A_220 = arith.muli %sub3A_218, %mul3A_219 : i32
            %dma_wait3A_221 = arith.constant 1 : i32
            %dma_wait3A_222 = arith.constant 1 : i32
            %dma_wait3A_223 = arith.constant 1 : i32
            %dma_wait3A_224 = tpu.memref_slice %arg9[%dma_wait3A_222, %dma_wait3A_223] : memref<2x2x!tpu.dma_semaphore, #tpu.memory_space<semaphore_mem>> -> memref<1x1x!tpu.dma_semaphore, #tpu.memory_space<semaphore_mem>>
            %dma_wait3A_225 = tpu.memref_squeeze %dma_wait3A_224 : memref<1x1x!tpu.dma_semaphore, #tpu.memory_space<semaphore_mem>> -> memref<!tpu.dma_semaphore, #tpu.memory_space<semaphore_mem>>
            %dma_wait3A_226 = arith.constant 0 : i32
            %dma_wait3A_227 = tpu.memref_slice %arg3[%dma_wait3A_226, %mul3A_220] : memref<16x16384xf32, #tpu.memory_space<any>> -> memref<16x512xf32, #tpu.memory_space<any>>
            %dma_wait3A_228 = arith.constant 0 : i32
            %dma_wait3A_229 = arith.constant 0 : i32
            %dma_wait3A_230 = tpu.memref_slice %arg7[%dma_wait3A_221, %dma_wait3A_228, %dma_wait3A_229] : memref<2x16x512xf32, #tpu.memory_space<vmem>> -> memref<1x16x512xf32, #tpu.memory_space<vmem>>
            %dma_wait3A_231 = tpu.memref_squeeze %dma_wait3A_230 : memref<1x16x512xf32, #tpu.memory_space<vmem>> -> memref<16x512xf32, #tpu.memory_space<vmem>>
            tpu.wait_dma2 semaphore(%dma_wait3A_225 : memref<!tpu.dma_semaphore, #tpu.memory_space<semaphore_mem>>) src(%dma_wait3A_231 : memref<16x512xf32, #tpu.memory_space<vmem>>) dst(%dma_wait3A_227 : memref<16x512xf32, #tpu.memory_space<any>>)
          } else {
          }
          %swap3A = arith.constant 1 : index
          %swap3A_166 = arith.constant 0 : index
          %swap3A_167 = arith.constant 0 : index
          %swap3A_168 = vector.load %arg6[%swap3A, %swap3A_166, %swap3A_167] : memref<2x512x16xf32, #tpu.memory_space<vmem>>, vector<1x512x16xf32>
          %swap3A_169 = vector.shape_cast %swap3A_168 : vector<1x512x16xf32> to vector<512x16xf32>
          %swap3A_170 = vector.shape_cast %min3A_141 : vector<512x16xf32> to vector<1x512x16xf32>
          tpu.vector_store %arg6[%swap3A, %swap3A_166, %swap3A_167], %swap3A_170 {strides = array<i32>} : memref<2x512x16xf32, #tpu.memory_space<vmem>>, vector<1x512x16xf32>,
          %transpose3A = tpu.transpose %min3A_141, [1, 0] : vector<512x16xf32> -> vector<16x512xf32>
          %swap3A_171 = arith.constant 1 : index
          %swap3A_172 = arith.constant 0 : index
          %swap3A_173 = arith.constant 0 : index
          %swap3A_174 = vector.load %arg7[%swap3A_171, %swap3A_172, %swap3A_173] : memref<2x16x512xf32, #tpu.memory_space<vmem>>, vector<1x16x512xf32>
          %swap3A_175 = vector.shape_cast %swap3A_174 : vector<1x16x512xf32> to vector<16x512xf32>
          %swap3A_176 = vector.shape_cast %transpose3A : vector<16x512xf32> to vector<1x16x512xf32>
          tpu.vector_store %arg7[%swap3A_171, %swap3A_172, %swap3A_173], %swap3A_176 {strides = array<i32>} : memref<2x16x512xf32, #tpu.memory_space<vmem>>, vector<1x16x512xf32>,
          %mul3A_177 = arith.constant 512 : i32
          %mul3A_178 = arith.muli %scan3A_94, %mul3A_177 : i32
          %dma_start3A_179 = arith.constant 1 : i32
          %dma_start3A_180 = arith.constant 1 : i32
          %dma_start3A_181 = arith.constant 0 : i32
          %dma_start3A_182 = tpu.memref_slice %arg9[%dma_start3A_180, %dma_start3A_181] : memref<2x2x!tpu.dma_semaphore, #tpu.memory_space<semaphore_mem>> -> memref<1x1x!tpu.dma_semaphore, #tpu.memory_space<semaphore_mem>>
          %dma_start3A_183 = tpu.memref_squeeze %dma_start3A_182 : memref<1x1x!tpu.dma_semaphore, #tpu.memory_space<semaphore_mem>> -> memref<!tpu.dma_semaphore, #tpu.memory_space<semaphore_mem>>
          %dma_start3A_184 = arith.constant 0 : i32
          %dma_start3A_185 = tpu.memref_slice %arg2[%mul3A_178, %dma_start3A_184] : memref<16384x16xf32, #tpu.memory_space<any>> -> memref<512x16xf32, #tpu.memory_space<any>>
          %dma_start3A_186 = arith.constant 0 : i32
          %dma_start3A_187 = arith.constant 0 : i32
          %dma_start3A_188 = tpu.memref_slice %arg6[%dma_start3A_179, %dma_start3A_186, %dma_start3A_187] : memref<2x512x16xf32, #tpu.memory_space<vmem>> -> memref<1x512x16xf32, #tpu.memory_space<vmem>>
          %dma_start3A_189 = tpu.memref_squeeze %dma_start3A_188 : memref<1x512x16xf32, #tpu.memory_space<vmem>> -> memref<512x16xf32, #tpu.memory_space<vmem>>
          tpu.enqueue_dma source(%dma_start3A_189 : memref<512x16xf32, #tpu.memory_space<vmem>>) target(%dma_start3A_185 : memref<512x16xf32, #tpu.memory_space<any>>) target_semaphore(%dma_start3A_183 : memref<!tpu.dma_semaphore, #tpu.memory_space<semaphore_mem>>)
          %mul3A_190 = arith.constant 512 : i32
          %mul3A_191 = arith.muli %scan3A_94, %mul3A_190 : i32
          %dma_start3A_192 = arith.constant 1 : i32
          %dma_start3A_193 = arith.constant 1 : i32
          %dma_start3A_194 = arith.constant 1 : i32
          %dma_start3A_195 = tpu.memref_slice %arg9[%dma_start3A_193, %dma_start3A_194] : memref<2x2x!tpu.dma_semaphore, #tpu.memory_space<semaphore_mem>> -> memref<1x1x!tpu.dma_semaphore, #tpu.memory_space<semaphore_mem>>
          %dma_start3A_196 = tpu.memref_squeeze %dma_start3A_195 : memref<1x1x!tpu.dma_semaphore, #tpu.memory_space<semaphore_mem>> -> memref<!tpu.dma_semaphore, #tpu.memory_space<semaphore_mem>>
          %dma_start3A_197 = arith.constant 0 : i32
          %dma_start3A_198 = tpu.memref_slice %arg3[%dma_start3A_197, %mul3A_191] : memref<16x16384xf32, #tpu.memory_space<any>> -> memref<16x512xf32, #tpu.memory_space<any>>
          %dma_start3A_199 = arith.constant 0 : i32
          %dma_start3A_200 = arith.constant 0 : i32
          %dma_start3A_201 = tpu.memref_slice %arg7[%dma_start3A_192, %dma_start3A_199, %dma_start3A_200] : memref<2x16x512xf32, #tpu.memory_space<vmem>> -> memref<1x16x512xf32, #tpu.memory_space<vmem>>
          %dma_start3A_202 = tpu.memref_squeeze %dma_start3A_201 : memref<1x16x512xf32, #tpu.memory_space<vmem>> -> memref<16x512xf32, #tpu.memory_space<vmem>>
          tpu.enqueue_dma source(%dma_start3A_202 : memref<16x512xf32, #tpu.memory_space<vmem>>) target(%dma_start3A_198 : memref<16x512xf32, #tpu.memory_space<any>>) target_semaphore(%dma_start3A_196 : memref<!tpu.dma_semaphore, #tpu.memory_space<semaphore_mem>>)
        } else {
        }
        %add3A_156 = arith.constant 4 : i32
        %add3A_157 = arith.addi %scan3A_94, %add3A_156 : i32
        %lt3A = arith.constant 32 : i32
        %lt3A_158 = arith.cmpi slt, %add3A_157, %lt3A : i32
        %convert_element_type3A_159 = arith.extui %lt3A_158 : i1 to i32
        %cond3A_160 = arith.constant 0 : i32
        %cond3A_161 = arith.cmpi ne, %convert_element_type3A_159, %cond3A_160 : i32
        scf.if %cond3A_161 {
          %add3A_162 = arith.constant 4 : i32
          %add3A_163 = arith.addi %scan3A_94, %add3A_162 : i32
          %add3A_164 = arith.constant 0 : i32
          %add3A_165 = arith.addi %add3A_164, %add3A_163 : i32
          %mul3A_166 = arith.constant 512 : i32
          %mul3A_167 = arith.muli %add3A_165, %mul3A_166 : i32
          %dma_start3A_168 = arith.constant 3 : i32
          %dma_start3A_169 = arith.constant 3 : i32
          %dma_start3A_170 = tpu.memref_slice %arg8[%dma_start3A_169] : memref<4x!tpu.dma_semaphore, #tpu.memory_space<semaphore_mem>> -> memref<1x!tpu.dma_semaphore, #tpu.memory_space<semaphore_mem>>
          %dma_start3A_171 = tpu.memref_squeeze %dma_start3A_170 : memref<1x!tpu.dma_semaphore, #tpu.memory_space<semaphore_mem>> -> memref<!tpu.dma_semaphore, #tpu.memory_space<semaphore_mem>>
          %dma_start3A_172 = arith.constant 0 : i32
          %dma_start3A_173 = arith.constant 0 : i32
          %dma_start3A_174 = tpu.memref_slice %arg5[%dma_start3A_168, %dma_start3A_172, %dma_start3A_173] : memref<4x512x2048xf32, #tpu.memory_space<vmem>> -> memref<1x512x2048xf32, #tpu.memory_space<vmem>>
          %dma_start3A_175 = tpu.memref_squeeze %dma_start3A_174 : memref<1x512x2048xf32, #tpu.memory_space<vmem>> -> memref<512x2048xf32, #tpu.memory_space<vmem>>
          %dma_start3A_176 = arith.constant 0 : i32
          %dma_start3A_177 = tpu.memref_slice %arg0[%mul3A_167, %dma_start3A_176] : memref<16384x2048xf32, #tpu.memory_space<any>> -> memref<512x2048xf32, #tpu.memory_space<any>>
          tpu.enqueue_dma source(%dma_start3A_177 : memref<512x2048xf32, #tpu.memory_space<any>>) target(%dma_start3A_175 : memref<512x2048xf32, #tpu.memory_space<vmem>>) target_semaphore(%dma_start3A_171 : memref<!tpu.dma_semaphore, #tpu.memory_space<semaphore_mem>>)
        } else {
        }
      } else {
      }
    }
    %scan3A_46 = arith.constant 32 : i32
    %dma_wait3A = arith.constant 0 : i32
    %dma_wait3A_47 = arith.constant 0 : i32
    %dma_wait3A_48 = arith.constant 0 : i32
    %dma_wait3A_49 = tpu.memref_slice %arg9[%dma_wait3A_47, %dma_wait3A_48] : memref<2x2x!tpu.dma_semaphore, #tpu.memory_space<semaphore_mem>> -> memref<1x1x!tpu.dma_semaphore, #tpu.memory_space<semaphore_mem>>
    %dma_wait3A_50 = tpu.memref_squeeze %dma_wait3A_49 : memref<1x1x!tpu.dma_semaphore, #tpu.memory_space<semaphore_mem>> -> memref<!tpu.dma_semaphore, #tpu.memory_space<semaphore_mem>>
    %dma_wait3A_51 = arith.constant 15360 : i32
    %dma_wait3A_52 = arith.constant 0 : i32
    %dma_wait3A_53 = tpu.memref_slice %arg2[%dma_wait3A_51, %dma_wait3A_52] : memref<16384x16xf32, #tpu.memory_space<any>> -> memref<512x16xf32, #tpu.memory_space<any>>
    %dma_wait3A_54 = arith.constant 0 : i32
    %dma_wait3A_55 = arith.constant 0 : i32
    %dma_wait3A_56 = tpu.memref_slice %arg6[%dma_wait3A, %dma_wait3A_54, %dma_wait3A_55] : memref<2x512x16xf32, #tpu.memory_space<vmem>> -> memref<1x512x16xf32, #tpu.memory_space<vmem>>
    %dma_wait3A_57 = tpu.memref_squeeze %dma_wait3A_56 : memref<1x512x16xf32, #tpu.memory_space<vmem>> -> memref<512x16xf32, #tpu.memory_space<vmem>>
    tpu.wait_dma2 semaphore(%dma_wait3A_50 : memref<!tpu.dma_semaphore, #tpu.memory_space<semaphore_mem>>) src(%dma_wait3A_57 : memref<512x16xf32, #tpu.memory_space<vmem>>) dst(%dma_wait3A_53 : memref<512x16xf32, #tpu.memory_space<any>>)
    %dma_wait3A_58 = arith.constant 0 : i32
    %dma_wait3A_59 = arith.constant 0 : i32
    %dma_wait3A_60 = arith.constant 1 : i32
    %dma_wait3A_61 = tpu.memref_slice %arg9[%dma_wait3A_59, %dma_wait3A_60] : memref<2x2x!tpu.dma_semaphore, #tpu.memory_space<semaphore_mem>> -> memref<1x1x!tpu.dma_semaphore, #tpu.memory_space<semaphore_mem>>
    %dma_wait3A_62 = tpu.memref_squeeze %dma_wait3A_61 : memref<1x1x!tpu.dma_semaphore, #tpu.memory_space<semaphore_mem>> -> memref<!tpu.dma_semaphore, #tpu.memory_space<semaphore_mem>>
    %dma_wait3A_63 = arith.constant 0 : i32
    %dma_wait3A_64 = arith.constant 15360 : i32
    %dma_wait3A_65 = tpu.memref_slice %arg3[%dma_wait3A_63, %dma_wait3A_64] : memref<16x16384xf32, #tpu.memory_space<any>> -> memref<16x512xf32, #tpu.memory_space<any>>
    %dma_wait3A_66 = arith.constant 0 : i32
    %dma_wait3A_67 = arith.constant 0 : i32
    %dma_wait3A_68 = tpu.memref_slice %arg7[%dma_wait3A_58, %dma_wait3A_66, %dma_wait3A_67] : memref<2x16x512xf32, #tpu.memory_space<vmem>> -> memref<1x16x512xf32, #tpu.memory_space<vmem>>
    %dma_wait3A_69 = tpu.memref_squeeze %dma_wait3A_68 : memref<1x16x512xf32, #tpu.memory_space<vmem>> -> memref<16x512xf32, #tpu.memory_space<vmem>>
    tpu.wait_dma2 semaphore(%dma_wait3A_62 : memref<!tpu.dma_semaphore, #tpu.memory_space<semaphore_mem>>) src(%dma_wait3A_69 : memref<16x512xf32, #tpu.memory_space<vmem>>) dst(%dma_wait3A_65 : memref<16x512xf32, #tpu.memory_space<any>>)
    %dma_wait3A_70 = arith.constant 1 : i32
    %dma_wait3A_71 = arith.constant 1 : i32
    %dma_wait3A_72 = arith.constant 0 : i32
    %dma_wait3A_73 = tpu.memref_slice %arg9[%dma_wait3A_71, %dma_wait3A_72] : memref<2x2x!tpu.dma_semaphore, #tpu.memory_space<semaphore_mem>> -> memref<1x1x!tpu.dma_semaphore, #tpu.memory_space<semaphore_mem>>
    %dma_wait3A_74 = tpu.memref_squeeze %dma_wait3A_73 : memref<1x1x!tpu.dma_semaphore, #tpu.memory_space<semaphore_mem>> -> memref<!tpu.dma_semaphore, #tpu.memory_space<semaphore_mem>>
    %dma_wait3A_75 = arith.constant 15872 : i32
    %dma_wait3A_76 = arith.constant 0 : i32
    %dma_wait3A_77 = tpu.memref_slice %arg2[%dma_wait3A_75, %dma_wait3A_76] : memref<16384x16xf32, #tpu.memory_space<any>> -> memref<512x16xf32, #tpu.memory_space<any>>
    %dma_wait3A_78 = arith.constant 0 : i32
    %dma_wait3A_79 = arith.constant 0 : i32
    %dma_wait3A_80 = tpu.memref_slice %arg6[%dma_wait3A_70, %dma_wait3A_78, %dma_wait3A_79] : memref<2x512x16xf32, #tpu.memory_space<vmem>> -> memref<1x512x16xf32, #tpu.memory_space<vmem>>
    %dma_wait3A_81 = tpu.memref_squeeze %dma_wait3A_80 : memref<1x512x16xf32, #tpu.memory_space<vmem>> -> memref<512x16xf32, #tpu.memory_space<vmem>>
    tpu.wait_dma2 semaphore(%dma_wait3A_74 : memref<!tpu.dma_semaphore, #tpu.memory_space<semaphore_mem>>) src(%dma_wait3A_81 : memref<512x16xf32, #tpu.memory_space<vmem>>) dst(%dma_wait3A_77 : memref<512x16xf32, #tpu.memory_space<any>>)
    %dma_wait3A_82 = arith.constant 1 : i32
    %dma_wait3A_83 = arith.constant 1 : i32
    %dma_wait3A_84 = arith.constant 1 : i32
    %dma_wait3A_85 = tpu.memref_slice %arg9[%dma_wait3A_83, %dma_wait3A_84] : memref<2x2x!tpu.dma_semaphore, #tpu.memory_space<semaphore_mem>> -> memref<1x1x!tpu.dma_semaphore, #tpu.memory_space<semaphore_mem>>
    %dma_wait3A_86 = tpu.memref_squeeze %dma_wait3A_85 : memref<1x1x!tpu.dma_semaphore, #tpu.memory_space<semaphore_mem>> -> memref<!tpu.dma_semaphore, #tpu.memory_space<semaphore_mem>>
    %dma_wait3A_87 = arith.constant 0 : i32
    %dma_wait3A_88 = arith.constant 15872 : i32
    %dma_wait3A_89 = tpu.memref_slice %arg3[%dma_wait3A_87, %dma_wait3A_88] : memref<16x16384xf32, #tpu.memory_space<any>> -> memref<16x512xf32, #tpu.memory_space<any>>
    %dma_wait3A_90 = arith.constant 0 : i32
    %dma_wait3A_91 = arith.constant 0 : i32
    %dma_wait3A_92 = tpu.memref_slice %arg7[%dma_wait3A_82, %dma_wait3A_90, %dma_wait3A_91] : memref<2x16x512xf32, #tpu.memory_space<vmem>> -> memref<1x16x512xf32, #tpu.memory_space<vmem>>
    %dma_wait3A_93 = tpu.memref_squeeze %dma_wait3A_92 : memref<1x16x512xf32, #tpu.memory_space<vmem>> -> memref<16x512xf32, #tpu.memory_space<vmem>>
    tpu.wait_dma2 semaphore(%dma_wait3A_86 : memref<!tpu.dma_semaphore, #tpu.memory_space<semaphore_mem>>) src(%dma_wait3A_93 : memref<16x512xf32, #tpu.memory_space<vmem>>) dst(%dma_wait3A_89 : memref<16x512xf32, #tpu.memory_space<any>>)
    return
  }
}

</mosaic_0001>

<sc_bundles>
// kernel: _run.4.cloned.1.call-start
scs
__scs_entry_jumppad:
0x0: {  	(pc) =	sbr.rel $0x88, $3  }
0x1: {  	(tag) =	ssettag $0x0;
	lr =	simm.s32 $0x1  }
0x2: {  	[smem:$0x3F9F] =	sst lr;
	_ =	strace $0xD0000000  }
0x3: {  	_ = 	snop  }
0x4: {  	_ = 	snop  }
0x5: {  	_ = 	snop  }
0x6: {  	_ = 	snop  }
0x7: {  	_ = 	snop  }
__scs_overlays_trampoline_lowered:
0x8: {  	[smem:$0x3FAE] =	sst s0  }
0x9: {  	[smem:$0x3FAF] =	sst s1  }
0xa: {  	[smem:$0x3FB0] =	sst s2  }
0xb: {  	[smem:$0x3FB1] =	sst s3  }
0xc: {  	[smem:$0x3FB2] =	sst s4  }
0xd: {  	[smem:$0x3FB3] =	sst s5  }
0xe: {  	[smem:$0x3FB4] =	sst s6  }
0xf: {  	[smem:$0x3FB5] =	sst s7  }
0x10: {  	[smem:$0x3FB6] =	sst s8  }
0x11: {  	[smem:$0x3FB7] =	sst s9;
	s0 =	simm.s32 @!p0 $0x0  }
0x12: {  	s1 =	sld [smem:$0x3F9D];
	s0 =	simm.s32 @p0 $0x1  }
0x13: {  	[smem:$0x3FB8] =	sst s0;
	s0 =	simm.s32 @!p1 $0x0  }
0x14: {  	s2 =	sld [smem:$0x3F9C];
	s0 =	simm.s32 @p1 $0x1  }
0x15: {  	[smem:$0x3FB9] =	sst s0;
	s0 =	simm.s32 @!p2 $0x0  }
0x16: {  	s3 =	sld [smem:$0x3FDB];
	s0 =	simm.s32 @p2 $0x1  }
0x17: {  	s4 =	simm.s32 $0x1BF5;
	[smem:$0x3FBB] =	sst s0  }
0x18: {  	s0 =	sld [smem:$0x3F9E];
	_ =	swait.ge [sflag:s4], $0x0  }
0x19: {  	s7 =	sld [smem:$0x3F9F]  }
0x1a: {  	s8 =	sadd.s32 $0xFFFFE003, lr  }
0x1b: {  	s9 =	sadd.s32 $0xFFFFFEF7, lr;
	s5 =	simm.s32 $0xFFFFFFFF;
	p2 =	slt.u32 s8, $0xFFFFF086  }
0x1c: {  	p1 =	slt.u32 s9, $0xF7A;
	s5 =	simm.s32 @!p2 $0x0  }
0x1d: {  	s5 =	simm.s32 @p1 $0x1;
	p0 =	seq.s32 s7, s2  }
0x1e: {  	s7 =	smul.u32 @!p0 $0xF7A, s2;
	p2 =	seq.s32 @!p0 s5, $0x0  }
0x1f: {  	s9 =	smul.u32 $0xF7A, s1;
	s8 =	simm.s32 @!p0 $0x1BF5;
	p2 =	por !p2, p0  }
0x20: {  	[sflag:s8] =	ssyncset.s32 @!p0 $0xFFFFF086;
	s6 =	sadd.s32 @!p0 s3, s7;
	s7 =	simm.s32 @!p0 $0x108  }
0x21: {  	s3 =	sadd.s32 s3, s9;
	s6 =	sadd.s32 @!p0 $0x88, s6;
	s7 =	simm.s32 @p2 $0x1082  }
0x22: {  	[simem:s7], [sflag:s8] =	dma.local @!p0 [hbm:s6], $0xF7A  }
0x23: {  	s9 =	sor.u32 $0xD0000000, s2;
	s6 =	simm.s32 $0x108;
	_ =	swait.ge @!p0 [sflag:s8], $0x0  }
0x24: {  	s3 =	sadd.s32 $0x88, s3;
	s6 =	simm.s32 @!p1 $0x1082;
	[sflag:s4] =	ssyncset.s32 $0xFFFFF086  }
0x25: {  	[simem:s6], [sflag:s4] =	dma.local [hbm:s3], $0xF7A  }
0x26: {  	[smem:$0x3F9F] =	sst s1;
	(tag) =	ssettag s2;
	_ =	strace s9  }
0x27: {  	s1 =	sld [smem:$0x3FAF]  }
0x28: {  	s2 =	sld [smem:$0x3FB0]  }
0x29: {  	s4 =	sld [smem:$0x3FB2]  }
0x2a: {  	p0 =	seq.s32 s5, $0x0;
	s5 =	sld [smem:$0x3FB3]  }
0x2b: {  	s6 =	sld [smem:$0x3FB4]  }
0x2c: {  	s7 =	sld [smem:$0x3FB5]  }
0x2d: {  	s3 =	simm.s32 $0x108;
	s8 =	sld [smem:$0x3FB6]  }
0x2e: {  	s3 =	simm.s32 @!p0 $0x1082;
	s9 =	sld [smem:$0x3FB7]  }
0x2f: {  	lr =	sadd.s32 s0, s3;
	s0 =	sld [smem:$0x3FAE]  }
0x30: {  	s3 =	sld [smem:$0x3FB1]  }
0x31: {  	[smem:$0x3FBA] =	sst s10  }
0x32: {  	s10 =	sld [smem:$0x3FB8];
	_ =	sdelay $0x3  }
0x33: {  	p0 =	seq.s32 s10, $0x1;
	s10 =	sld [smem:$0x3FBA];
	_ =	sdelay $0x3  }
0x34: {  	[smem:$0x3FBA] =	sst s10  }
0x35: {  	s10 =	sld [smem:$0x3FB9];
	_ =	sdelay $0x3  }
0x36: {  	p1 =	seq.s32 s10, $0x1;
	s10 =	sld [smem:$0x3FBA];
	_ =	sdelay $0x3  }
0x37: {  	[smem:$0x3FBA] =	sst s10  }
0x38: {  	s10 =	sld [smem:$0x3FBB]  }
0x39: {  	_ = 	snop;
	(pc) =	sbr.ind lr, $3  }
0x3a: {  	_ = 	snop  }
0x3b: {  	_ = 	snop  }
0x3c: {  	p2 =	seq.s32 s10, $0x1;
	s10 =	sld [smem:$0x3FBA]  }
0x3d: {  	_ =	shalt  }
0x3e: {  	_ =	shalt  }
0x3f: {  	_ =	shalt  }
0x40: {  	_ =	shalt  }
0x41: {  	_ =	shalt  }
0x42: {  	_ =	shalt  }
0x43: {  	_ =	shalt  }
0x44: {  	_ =	shalt  }
0x45: {  	_ =	shalt  }
0x46: {  	_ =	shalt  }
0x47: {  	_ =	shalt  }
0x48: {  	_ =	shalt  }
0x49: {  	_ =	shalt  }
0x4a: {  	_ =	shalt  }
0x4b: {  	_ =	shalt  }
0x4c: {  	_ =	shalt  }
0x4d: {  	_ =	shalt  }
0x4e: {  	_ =	shalt  }
0x4f: {  	_ =	shalt  }
0x50: {  	_ =	shalt  }
0x51: {  	_ =	shalt  }
0x52: {  	_ =	shalt  }
0x53: {  	_ =	shalt  }
0x54: {  	_ =	shalt  }
0x55: {  	_ =	shalt  }
0x56: {  	_ =	shalt  }
0x57: {  	_ =	shalt  }
0x58: {  	_ =	shalt  }
0x59: {  	_ =	shalt  }
0x5a: {  	_ =	shalt  }
0x5b: {  	_ =	shalt  }
0x5c: {  	_ =	shalt  }
0x5d: {  	_ =	shalt  }
0x5e: {  	_ =	shalt  }
0x5f: {  	_ =	shalt  }
0x60: {  	_ =	shalt  }
0x61: {  	_ =	shalt  }
0x62: {  	_ =	shalt  }
0x63: {  	_ =	shalt  }
0x64: {  	_ =	shalt  }
0x65: {  	_ =	shalt  }
0x66: {  	_ =	shalt  }
0x67: {  	_ =	shalt  }
0x68: {  	_ =	shalt  }
0x69: {  	_ =	shalt  }
0x6a: {  	_ =	shalt  }
0x6b: {  	_ =	shalt  }
0x6c: {  	_ =	shalt  }
0x6d: {  	_ =	shalt  }
0x6e: {  	_ =	shalt  }
0x6f: {  	_ =	shalt  }
0x70: {  	_ =	shalt  }
0x71: {  	_ =	shalt  }
0x72: {  	_ =	shalt  }
0x73: {  	_ =	shalt  }
0x74: {  	_ =	shalt  }
0x75: {  	_ =	shalt  }
0x76: {  	_ =	shalt  }
0x77: {  	_ =	shalt  }
0x78: {  	_ =	shalt  }
0x79: {  	_ =	shalt  }
0x7a: {  	_ =	shalt  }
0x7b: {  	_ =	shalt  }
0x7c: {  	_ =	shalt  }
0x7d: {  	_ =	shalt  }
0x7e: {  	_ =	shalt  }
0x7f: {  	_ =	shalt  }
0x80: {  	_ =	shalt  }
0x81: {  	_ =	shalt  }
0x82: {  	_ =	shalt  }
0x83: {  	_ =	shalt  }
0x84: {  	_ =	shalt  }
0x85: {  	_ =	shalt  }
0x86: {  	_ =	shalt  }
0x87: {  	_ =	shalt  }
.Lfunc_end0:
.L_simem_size_0:
called_computation_lowered:
.L_overlay_start_0:
0x88: {  	s2 =	sld [smem:$0x3FD9]  }
0x89: {  	s3 =	sld [smem:$0x3FFE];
	_ =	sdelay $0x1  }
0x8a: {  	s1 =	srdreg.scid  }
0x8b: {  	s0 =	sand.u32 $0x1, s1  }
0x8c: {  	s14 =	sshll.u32 s0, $0xA;
	s2 =	sadd.s32 s3, s2  }
0x8d: {  	s2 =	sadd.s32 s2, s14  }
0x8e: {  	[smem:$0x3FC6] =	sst s2  }
0x8f: {  	_ = 	snop  }
0x90: {  	s2 =	sld [smem:$0x3FD0];
	_ =	sdelay $0x2  }
0x91: {  	s15 =	simm.s32 $0xA;
	s4 =	simm.s32 $0x10  }
0x92: {  	[smem:s4], [sflag:s15] =	dma.local [hbm:s2], $0x1  }
0x93: {  	_ =	swait.eq [sflag:s15], $0x1  }
0x94: {  	[sflag:s15] =	ssyncset.done $0x0  }
0x95: {  	s16 =	sld [smem:$0x11];
	[sflag:s15] =	ssyncadd.s32 $0xFFFFFFFF  }
0x96: {  	s17 =	sld [smem:$0x12];
	(tm) =	ssettm $0x1  }
0x97: {  	s18 =	sld [smem:$0x3FFB];
	_ =	sdelay $0x3  }
0x98: {  	_ =	strace s18  }
0x99: {  	s4 =	sld [smem:$0x3FFC];
	_ =	sdelay $0x3  }
0x9a: {  	_ =	strace s4  }
0x9b: {  	s4 =	sld [smem:$0x3FFD];
	_ =	sdelay $0x3  }
0x9c: {  	_ =	strace s4  }
0x9d: {  	_ =	strace $0x8FFFFFFF  }
0x9e: {  	s19 =	sld [smem:$0x3FDB];
	_ =	sdelay $0x1  }
0x9f: {  	s5 =	simm.s32 $_scs_section_size  }
0xa0: {  	s6 =	simm.s32 $_size__tile_overlayer_lowered;
	s7 =	simm.s32 $_tile_overlayer_lowered  }
0xa1: {  	s22 =	simm.s32 $0x1BFF;
	s21 =	sshll.u32 s7, $0x1;
	s4 =	sadd.s32 s5, s19  }
0xa2: {  	s8 =	simm.s32 $0x0;
	s20 =	sshll.u32 s6, $0x1;
	s6 =	sadd.s32 s21, s4  }
0xa3: {  	[timem:s8], [sflag:s22] =	dma.local [hbm:s6], s20  }
0xa4: {  	_ =	swait.ge [sflag:s22], s20  }
0xa5: {  	s5 =	ssub.s32 $0x0, s20;
	[sflag:s22] =	ssyncset.done $0x0  }
0xa6: {  	[sflag:s22] =	ssyncadd.s32 s5;
	_ =	sdelay $0x1  }
0xa7: {  	s23 =	simm.s32 $0x1B8B  }
0xa8: {  	_ =	swait.ge [sflag:s23], $0x1  }
0xa9: {  	[sflag:s23] =	ssyncset.done $0x0  }
0xaa: {  	s25 =	simm.s32 $0x1B8E;
	s24 =	sld [smem:$0x3FFE];
	[sflag:s23] =	ssyncadd.s32 $0xFFFFFFFF  }
0xab: {  	s26 =	simm.s32 $execute0_lowered;
	[smem:$0x3FD2] =	sst s25  }
0xac: {  	s6 =	sshll.u32 s26, $0x1;
	_ =	strace $0x80000046;
	[dreg:$0x1] =	wrdreg $0xFFFFFFFF  }
0xad: {  	s28 =	simm.s32 $_size_execute0_lowered;
	s4 =	sadd.s32 s4, s6;
	[dreg:$0x0] =	wrdreg $0x0  }
0xae: {  	s6 =	sshll.u32 s28, $0x1;
	[dreg:$0x2] =	wrdreg s4  }
0xaf: {  	[dreg:$0x3] =	wrdreg s6  }
0xb0: {  	[dreg:$0x4] =	wrdreg $0xC0  }
0xb1: {  	_ =	task [dreg:s8], $0x5FFFF  }
0xb2: {  	[dreg:$0x1] =	wrdreg $0xFFFFFFFF  }
0xb3: {  	[dreg:$0x0] =	wrdreg $0x60  }
0xb4: {  	[dreg:$0x2] =	wrdreg s24  }
0xb5: {  	[dreg:$0x3] =	wrdreg s16  }
0xb6: {  	[dreg:$0x4] =	wrdreg s17  }
0xb7: {  	[dreg:$0x5] =	wrdreg $0x9  }
0xb8: {  	_ =	task.clear_ibuf [dreg:s8], $0x6FFFF;
	_ =	strace $0x90000046  }
0xb9: {  	s29 =	simm.s32 $0x9;
	_ =	strace $0x80000048  }
0xba: {  	_ =	swait.ge [sflag:s29], $0x1  }
0xbb: {  	[sflag:s29] =	ssyncadd.s32 $0xFFFFFFFF  }
0xbc: {  	_ =	strace $0x90000048  }
0xbd: {  	_ =	sfence  }
0xbe: {  	s30 =	sld [smem:$0x0];
	_ =	sdelay $0x2  }
0xbf: {  	s31 =	sshll.u32 s1, $0xD;
	s1 =	sshrl.u32 s1, $0x2  }
0xc0: {  	s3 =	sand.u32 $0x4000, s31;
	s1 =	sadd.s32 s1, s30  }
0xc1: {  	s0 =	sor.u32 s3, s0;
	s1 =	sshll.u32 s1, $0x11  }
0xc2: {  	s0 =	sor.u32 s1, s0  }
0xc3: {  	s0 =	sadd.s32 $0x8F2B, s0  }
0xc4: {  	[sflag:s0] =	ssyncadd.remote.s32 $0x1  }
0xc5: {  	_ =	sfence.sel $0xFFFF  }
0xc6: {  	[dreg:$0x0] =	wrdreg $0xFFFFFFFF;
	(pc) =	sbr.abs _section_cstart, $3  }
0xc7: {  	[dreg:$0x1] =	wrdreg $0xFFFFFFFF  }
0xc8: {  	_ =	task.clear_ibuf [dreg:s8], $0x2FFFF;
	_ =	strace $0x9FFFFFFF  }
0xc9: {  	(tm) =	ssettm $0x7FFFFFFF  }
tec
execute0_lowered:
.L_overlay_start_1:
0x0: {  	(tag) =	ssettag $0x1  }
0x1: {  	s3 =	rddreg [dreg:$0x0]  }
0x2: {  	s4 =	rddreg [dreg:$0x1]  }
0x3: {  	s5 =	rddreg [dreg:$0x2];
	s2 =	srdreg.scid  }
0x4: {  	s0 =	rddreg [dreg:$0x3];
	s1 =	stileid.u32;
	s9 =	simm.s32 $0x1  }
0x5: {  	s10 =	simm.s32 $0x2000;
	s11 =	simm.s32 $0x2400;
	s12 =	simm.s32 $0x0  }
0x6: {  	s6 =	sand.u32 $0x1, s2;
	s2 =	simm.s32 $0x0;
	s7 =	sshll.u32 s1, $0xA  }
0x7: {  	s8 =	sshll.u32 s6, $0x9;
	[smem:$0x7FF] =	sst s2;
	s6 =	ssub.s32 $0x2, s6  }
0x8: {  	s7 =	sor.u32 s8, s7;
	_ =	strace $0x80000047;
	s31 =	sshrl.u32 s6, $0x1  }
0x9: {  	s8 =	simm.s32 $0x20000;
	s3 =	sadd.s32 s7, s3;
	s7 =	sshrl.u32 s7, $0x2  }
0xa: {  	s6 =	ssub.s32 s6, s31;
	s3 =	sadd.s32 $0xC00, s3;
	s4 =	sadd.s32 s4, s7  }
0xb: {  	v0 =	vimm.s32 $0x0;
	s5 =	sadd.s32 s5, s7;
	s6 =	smax.u32 s6, $0x1;
	s7 =	simm.s32 $0x1000  }
.LBB2_1:
0xc: {  	[tilespmem:s2], [sflag:$0x1] =	stream.strided.gather [hbm4b:s3+s7], $0x2000, s8, s7, $0x38;
	[tilespmem:$0x2800] =	vst v63  }
0xd: {  	s14 =	simm.s32 $0x0;
	_ =	swait.ge [sflag:s9], $0x2000  }
0xe: {  	s13 =	sand.u32 $0x70, s2;
	s14 =	sand.u32 $0x3FFFFC00, s14;
	[sflag:s9] =	ssyncset.done $0x0  }
0xf: {  	s14 =	sor.u32 s13, s14;
	[sflag:s9] =	ssyncadd.s32 $0xFFFFE000  }
0x10: {  	v1 =	vld [tilespmem:s14+$0x80]  }
0x11: {  	v2 =	vld [tilespmem:s14+$0x0];
	_ =	sdelay $0x2  }
0x12: {  	v3 =	vld [tilespmem:s14+$0x100]  }
0x13: {  	vm0 =	vlt.f32 v1, $-Inf;
	vm1 =	vgt.f32 v1, $-Inf  }
0x14: {  	vm12 =	vgt.f32 v1, v2;
	vm14 =	vmor vm1, vm0  }
0x15: {  	v5 =	vld [tilespmem:s14+$0x180];
	vm0 =	vmneg vm12;
	v4 =	vnsel vm14, $0xFF800000, v1  }
0x16: {  	v4 =	vsel vm0, v4, v2  }
0x17: {  	v1 =	vsel vm0, v2, v1;
	vm15 =	vgt.f32 v3, v4  }
0x18: {  	vm9 =	vgt.f32 v3, v1;
	v2 =	vsel vm15, v3, v4  }
0x19: {  	v40 =	vld [tilespmem:s14+$0x200];
	v2 =	vsel vm9, v1, v2  }
0x1a: {  	v1 =	vsel vm9, v3, v1;
	v3 =	vimm.s32 $0x0;
	vm4 =	vgt.f32 v5, v2  }
0x1b: {  	v3 =	vsel vm4, $0xFFFFFFFF, v3  }
0x1c: {  	vm11 =	vgt.f32 v5, v1;
	v2 =	vsel vm4, v5, v2;
	[tilespmem:$0x1FF50] =	vst v3;
	v3 =	vld [tilespmem:s14+$0x280]  }
0x1d: {  	v2 =	vsel vm11, v1, v2  }
0x1e: {  	v1 =	vsel vm11, v5, v1;
	vm5 =	vgt.f32 v40, v2  }
0x1f: {  	v42 =	vld [tilespmem:s14+$0x300];
	vm8 =	vgt.f32 v40, v1;
	v2 =	vsel vm5, v40, v2  }
0x20: {  	v2 =	vsel vm8, v1, v2  }
0x21: {  	v1 =	vsel vm8, v40, v1;
	vm13 =	vgt.f32 v3, v2  }
0x22: {  	v41 =	vimm.s32 $0x0;
	vm7 =	vgt.f32 v3, v1;
	v2 =	vsel vm13, v3, v2  }
0x23: {  	v44 =	vld [tilespmem:s14+$0x380];
	v5 =	vsel vm5, $0xFFFFFFFF, v41;
	v2 =	vsel vm7, v1, v2  }
0x24: {  	v1 =	vsel vm7, v3, v1;
	v3 =	vimm.s32 $0x0;
	vm5 =	vgt.f32 v42, v2  }
0x25: {  	v3 =	vsel vm5, $0xFFFFFFFF, v3  }
0x26: {  	vm10 =	vgt.f32 v42, v1;
	v2 =	vsel vm5, v42, v2;
	[tilespmem:$0x1FF80] =	vst v3;
	v3 =	vld [tilespmem:s14+$0x1000]  }
0x27: {  	v2 =	vsel vm10, v1, v2  }
0x28: {  	v43 =	vimm.s32 $0x0;
	v1 =	vsel vm10, v42, v1;
	vm6 =	vgt.f32 v44, v2  }
0x29: {  	v46 =	vld [tilespmem:s14+$0x1080];
	v4 =	vsel vm13, $0xFFFFFFFF, v43;
	vm13 =	vgt.f32 v44, v1;
	v2 =	vsel vm6, v44, v2  }
0x2a: {  	v2 =	vsel vm13, v1, v2  }
0x2b: {  	v45 =	vimm.s32 $0x0;
	v1 =	vsel vm13, v44, v1;
	vm4 =	vgt.f32 v3, v2  }
0x2c: {  	[tilespmem:$0x1FF60] =	vst v5;
	v5 =	vsel vm6, $0xFFFFFFFF, v45;
	vm6 =	vgt.f32 v3, v1;
	v2 =	vsel vm4, v3, v2  }
0x2d: {  	v48 =	vld [tilespmem:s14+$0x1100];
	v2 =	vsel vm6, v1, v2  }
0x2e: {  	v1 =	vsel vm6, v3, v1;
	v3 =	vimm.s32 $0x0;
	vm5 =	vgt.f32 v46, v2  }
0x2f: {  	v3 =	vsel vm5, $0xFFFFFFFF, v3  }
0x30: {  	v2 =	vsel vm5, v46, v2;
	vm5 =	vgt.f32 v46, v1;
	[tilespmem:$0x1FFB0] =	vst v3;
	v3 =	vld [tilespmem:s14+$0x1180]  }
0x31: {  	v47 =	vimm.s32 $0x0;
	v49 =	vimm.s32 $0x0;
	v2 =	vsel vm5, v1, v2  }
0x32: {  	[tilespmem:$0x1FF70] =	vst v4;
	v4 =	vsel vm4, $0xFFFFFFFF, v47;
	v1 =	vsel vm5, v46, v1;
	vm4 =	vgt.f32 v48, v2  }
0x33: {  	v50 =	vld [tilespmem:s14+$0x1200];
	[tilespmem:$0x1FF90] =	vst v5;
	v5 =	vsel vm4, $0xFFFFFFFF, v49;
	v2 =	vsel vm4, v48, v2;
	vm4 =	vgt.f32 v48, v1  }
0x34: {  	v2 =	vsel vm4, v1, v2  }
0x35: {  	v1 =	vsel vm4, v48, v1;
	vm1 =	vgt.f32 v3, v2  }
0x36: {  	v51 =	vimm.s32 $0x0;
	vm3 =	vgt.f32 v3, v1;
	v2 =	vsel vm1, v3, v2  }
0x37: {  	v52 =	vld [tilespmem:s14+$0x1280];
	[tilespmem:$0x1FFA0] =	vst v4;
	v4 =	vsel vm1, $0xFFFFFFFF, v51;
	v2 =	vsel vm3, v1, v2  }
0x38: {  	v1 =	vsel vm3, v3, v1;
	v3 =	vimm.s32 $0x0;
	vm1 =	vgt.f32 v50, v2  }
0x39: {  	v3 =	vsel vm1, $0xFFFFFFFF, v3  }
0x3a: {  	vm2 =	vgt.f32 v50, v1;
	v2 =	vsel vm1, v50, v2;
	[tilespmem:$0x1FFE0] =	vst v3;
	v3 =	vld [tilespmem:s14+$0x1300]  }
0x3b: {  	v2 =	vsel vm2, v1, v2  }
0x3c: {  	v53 =	vimm.s32 $0x0;
	v56 =	vld [tilespmem:$0x1FF50];
	v1 =	vsel vm2, v50, v1;
	vm1 =	vgt.f32 v52, v2  }
0x3d: {  	v54 =	vld [tilespmem:s14+$0x1380];
	[tilespmem:$0x1FFC0] =	vst v5;
	v5 =	vsel vm1, $0xFFFFFFFF, v53;
	v2 =	vsel vm1, v52, v2;
	vm1 =	vgt.f32 v52, v1  }
0x3e: {  	v6 =	vsel vm12, $0x1, v0;
	v2 =	vsel vm1, v1, v2  }
0x3f: {  	vm0 =	vmand vm0, vm14;
	v1 =	vsel vm1, v52, v1;
	vm14 =	vgt.f32 v3, v2  }
0x40: {  	v55 =	vsel vm0, $0x1, v0;
	v57 =	vld [tilespmem:$0x1FF60];
	vm0 =	vgt.f32 v3, v1;
	v2 =	vsel vm14, v3, v2  }
0x41: {  	[tilespmem:$0x1FFD0] =	vst v4;
	v4 =	vsel vm15, $0x2, v55;
	vm15 =	vnez.u8 v56;
	v2 =	vsel vm0, v1, v2  }
0x42: {  	v58 =	vld [tilespmem:$0x1FF70];
	v4 =	vsel vm9, v6, v4;
	v1 =	vsel vm0, v3, v1;
	vm12 =	vgt.f32 v54, v2  }
0x43: {  	v3 =	vsel vm9, $0x2, v6;
	vm9 =	vgt.f32 v54, v1;
	v2 =	vsel vm12, v54, v2  }
0x44: {  	v4 =	vsel vm15, $0x3, v4;
	v2 =	vsel vm9, v1, v2;
	v1 =	vsel vm9, v54, v1  }
0x45: {  	vm15 =	vnez.u8 v57;
	v1 =	vsub.f32 v2, v1;
	v2 =	vsel vm11, v3, v4  }
0x46: {  	v3 =	vsel vm11, $0x3, v3;
	v2 =	vsel vm15, $0x4, v2  }
0x47: {  	vm15 =	vnez.u8 v58;
	v2 =	vsel vm8, v3, v2;
	v1 =	vmul.f32 $1.442695020e+00, v1  }
0x48: {  	v3 =	vsel vm8, $0x4, v3;
	v2 =	vsel vm15, $0x5, v2  }
0x49: {  	(erf) = vpow2.f32 v1;
	v1 =	vsel vm7, v3, v2;
	v2 =	vsel vm7, $0x5, v3;
	v3 =	vld [tilespmem:$0x1FF80];
	_ =	sdelay $0x4  }
0x4a: {  	vm15 =	vnez.u8 v3;
	v3 =	vld [tilespmem:$0x1FF90];
	_ =	sdelay $0x4  }
0x4b: {  	vm11 =	vnez.u8 v3;
	v3 =	vld [tilespmem:$0x1FFA0];
	_ =	sdelay $0x1  }
0x4c: {  	v1 =	vsel vm15, $0x6, v1  }
0x4d: {  	v1 =	vsel vm10, v2, v1  }
0x4e: {  	v2 =	vsel vm10, $0x6, v2;
	v1 =	vsel vm11, $0x7, v1  }
0x4f: {  	v1 =	vsel vm13, v2, v1;
	v2 =	vsel vm13, $0x7, v2;
	vm13 =	vnez.u8 v3;
	v3 =	vld [tilespmem:$0x1FFB0];
	_ =	sdelay $0x4  }
0x50: {  	vm15 =	vnez.u8 v3;
	v3 =	vld [tilespmem:$0x1FFC0];
	_ =	sdelay $0x1  }
0x51: {  	v60 =	vld [tilespmem:$0x1FFD0];
	v1 =	vsel vm13, $0x8, v1  }
0x52: {  	v1 =	vsel vm6, v2, v1  }
0x53: {  	v61 =	vld [tilespmem:$0x1FFE0];
	v2 =	vsel vm6, $0x8, v2;
	v1 =	vsel vm15, $0x9, v1  }
0x54: {  	[tilespmem:$0x1FFF0] =	vst v5;
	v1 =	vsel vm5, v2, v1;
	vm10 =	vnez.u8 v3  }
0x55: {  	v62 =	vld [tilespmem:$0x1FFF0];
	v2 =	vsel vm5, $0x9, v2;
	v1 =	vsel vm10, $0xA, v1  }
0x56: {  	vm11 =	vnez.u8 v60;
	v1 =	vsel vm4, v2, v1  }
0x57: {  	v3 =	vpop (erf);
	v2 =	vsel vm4, $0xA, v2;
	v1 =	vsel vm11, $0xB, v1  }
0x58: {  	vm13 =	vnez.u8 v61;
	v59 =	vadd.f32 $1.000000000e+00, v3;
	v1 =	vsel vm3, v2, v1  }
0x59: {  	v2 =	vsel vm3, $0xB, v2;
	v1 =	vsel vm13, $0xC, v1  }
0x5a: {  	vm15 =	vnez.u8 v62;
	(erf) = vrcp.f32 v59;
	v1 =	vsel vm2, v2, v1  }
0x5b: {  	v2 =	vsel vm2, $0xC, v2;
	v1 =	vsel vm15, $0xD, v1  }
0x5c: {  	v1 =	vsel vm1, v2, v1  }
0x5d: {  	v2 =	vsel vm1, $0xD, v2;
	v1 =	vsel vm14, $0xE, v1  }
0x5e: {  	v1 =	vsel vm0, v2, v1  }
0x5f: {  	s31 =	simm.s32 $0x0;
	v2 =	vsel vm0, $0xE, v2;
	v1 =	vsel vm12, $0xF, v1  }
0x60: {  	s14 =	sand.u32 $0xFFFFFF00, s31;
	v1 =	vsel vm9, v2, v1  }
0x61: {  	s17 =	sor.u32 s13, s14;
	v63 =	vsel vm9, $0xF, v2  }
0x62: {  	[tilespmem:s17+$0x2400] =	vst v63  }
0x63: {  	s18 =	simm.s32 $0x80;
	s15 =	simm.s32 $0x10;
	s16 =	simm.s32 $0x2;
	[tilespmem:s17+$0x2480] =	vst v1;
	v1 =	vpop (erf)  }
0x64: {  	s18 =	sand.u32 $0x3FFFFC00, s18;
	s13 =	simm.s32 $0x1;
	s14 =	sand.u32 $0x70, s15;
	[tilespmem:s17+$0x2000] =	vst v1;
	v1 =	vmul.f32 v1, v3  }
.LBB2_2:
0x65: {  	p0 =	sne.s32 s16, $0x1F  }
0x66: {  	s18 =	sor.u32 s14, s18;
	[tilespmem:s17+$0x2080] =	vst v1;
	s17 =	smov.u32 s16;
	s16 =	sadd.s32 $0x1, s16  }
0x67: {  	v1 =	vld [tilespmem:s18+$0x80]  }
0x68: {  	v2 =	vld [tilespmem:s18+$0x0];
	_ =	sdelay $0x2  }
0x69: {  	v3 =	vld [tilespmem:s18+$0x100]  }
0x6a: {  	vm0 =	vlt.f32 v1, $-Inf;
	vm1 =	vgt.f32 v1, $-Inf  }
0x6b: {  	vm2 =	vgt.f32 v1, v2;
	vm0 =	vmor vm1, vm0  }
0x6c: {  	vm1 =	vmneg vm2;
	v4 =	vnsel vm0, $0xFF800000, v1;
	v5 =	vld [tilespmem:s18+$0x180]  }
0x6d: {  	v4 =	vsel vm1, v4, v2;
	vm0 =	vmand vm1, vm0;
	v1 =	vsel vm1, v2, v1  }
0x6e: {  	v6 =	vsel vm2, $0x1, v0;
	v2 =	vsel vm0, $0x1, v0;
	vm0 =	vgt.f32 v3, v4  }
0x6f: {  	vm1 =	vgt.f32 v3, v1;
	v4 =	vsel vm0, v3, v4;
	v2 =	vsel vm0, $0x2, v2;
	v7 =	vld [tilespmem:s18+$0x200]  }
0x70: {  	v4 =	vsel vm1, v1, v4;
	v2 =	vsel vm1, v6, v2;
	v1 =	vsel vm1, v3, v1  }
0x71: {  	v3 =	vsel vm1, $0x2, v6;
	vm0 =	vgt.f32 v5, v4  }
0x72: {  	vm1 =	vgt.f32 v5, v1;
	v4 =	vsel vm0, v5, v4;
	v2 =	vsel vm0, $0x3, v2;
	v6 =	vld [tilespmem:s18+$0x280]  }
0x73: {  	v4 =	vsel vm1, v1, v4;
	v2 =	vsel vm1, v3, v2;
	v1 =	vsel vm1, v5, v1  }
0x74: {  	v3 =	vsel vm1, $0x3, v3;
	vm0 =	vgt.f32 v7, v4  }
0x75: {  	vm1 =	vgt.f32 v7, v1;
	v4 =	vsel vm0, v7, v4;
	v2 =	vsel vm0, $0x4, v2;
	v5 =	vld [tilespmem:s18+$0x300]  }
0x76: {  	v4 =	vsel vm1, v1, v4;
	v2 =	vsel vm1, v3, v2  }
0x77: {  	v1 =	vsel vm1, v7, v1;
	v3 =	vsel vm1, $0x4, v3;
	vm0 =	vgt.f32 v6, v4  }
0x78: {  	vm1 =	vgt.f32 v6, v1;
	v4 =	vsel vm0, v6, v4;
	v2 =	vsel vm0, $0x5, v2;
	v7 =	vld [tilespmem:s18+$0x380]  }
0x79: {  	v4 =	vsel vm1, v1, v4;
	v2 =	vsel vm1, v3, v2  }
0x7a: {  	v1 =	vsel vm1, v6, v1;
	v3 =	vsel vm1, $0x5, v3;
	vm0 =	vgt.f32 v5, v4  }
0x7b: {  	vm1 =	vgt.f32 v5, v1;
	v4 =	vsel vm0, v5, v4;
	v2 =	vsel vm0, $0x6, v2;
	v6 =	vld [tilespmem:s18+$0x1000]  }
0x7c: {  	v4 =	vsel vm1, v1, v4;
	v2 =	vsel vm1, v3, v2;
	v1 =	vsel vm1, v5, v1  }
0x7d: {  	v3 =	vsel vm1, $0x6, v3;
	vm0 =	vgt.f32 v7, v4  }
0x7e: {  	vm1 =	vgt.f32 v7, v1;
	v4 =	vsel vm0, v7, v4;
	v2 =	vsel vm0, $0x7, v2;
	v5 =	vld [tilespmem:s18+$0x1080]  }
0x7f: {  	v4 =	vsel vm1, v1, v4;
	v2 =	vsel vm1, v3, v2;
	v1 =	vsel vm1, v7, v1  }
0x80: {  	vm0 =	vgt.f32 v6, v4  }
0x81: {  	v3 =	vsel vm1, $0x7, v3;
	vm1 =	vgt.f32 v6, v1;
	v4 =	vsel vm0, v6, v4;
	v7 =	vld [tilespmem:s18+$0x1100]  }
0x82: {  	v2 =	vsel vm0, $0x8, v2;
	v8 =	vsel vm1, $0x8, v3;
	v4 =	vsel vm1, v1, v4  }
0x83: {  	v2 =	vsel vm1, v3, v2;
	v1 =	vsel vm1, v6, v1;
	vm0 =	vgt.f32 v5, v4  }
0x84: {  	vm1 =	vgt.f32 v5, v1;
	v3 =	vsel vm0, v5, v4;
	v2 =	vsel vm0, $0x9, v2;
	v4 =	vld [tilespmem:s18+$0x1180]  }
0x85: {  	v3 =	vsel vm1, v1, v3;
	v2 =	vsel vm1, v8, v2  }
0x86: {  	v1 =	vsel vm1, v5, v1;
	v5 =	vsel vm1, $0x9, v8;
	vm0 =	vgt.f32 v7, v3  }
0x87: {  	vm1 =	vgt.f32 v7, v1;
	v3 =	vsel vm0, v7, v3;
	v2 =	vsel vm0, $0xA, v2;
	v6 =	vld [tilespmem:s18+$0x1200]  }
0x88: {  	v3 =	vsel vm1, v1, v3;
	v2 =	vsel vm1, v5, v2;
	v5 =	vsel vm1, $0xA, v5  }
0x89: {  	v1 =	vsel vm1, v7, v1;
	vm0 =	vgt.f32 v4, v3  }
0x8a: {  	vm1 =	vgt.f32 v4, v1;
	v3 =	vsel vm0, v4, v3;
	v2 =	vsel vm0, $0xB, v2;
	v7 =	vld [tilespmem:s18+$0x1280]  }
0x8b: {  	v3 =	vsel vm1, v1, v3;
	v2 =	vsel vm1, v5, v2  }
0x8c: {  	v1 =	vsel vm1, v4, v1;
	v4 =	vsel vm1, $0xB, v5;
	vm0 =	vgt.f32 v6, v3  }
0x8d: {  	vm1 =	vgt.f32 v6, v1;
	v3 =	vsel vm0, v6, v3;
	v2 =	vsel vm0, $0xC, v2;
	v5 =	vld [tilespmem:s18+$0x1300]  }
0x8e: {  	v3 =	vsel vm1, v1, v3;
	v1 =	vsel vm1, v6, v1;
	v6 =	vsel vm1, $0xC, v4  }
0x8f: {  	v2 =	vsel vm1, v4, v2;
	vm0 =	vgt.f32 v7, v3  }
0x90: {  	vm1 =	vgt.f32 v7, v1;
	v3 =	vsel vm0, v7, v3;
	v2 =	vsel vm0, $0xD, v2;
	v4 =	vld [tilespmem:s18+$0x1380]  }
0x91: {  	v3 =	vsel vm1, v1, v3;
	v2 =	vsel vm1, v6, v2;
	v6 =	vsel vm1, $0xD, v6  }
0x92: {  	v1 =	vsel vm1, v7, v1;
	vm0 =	vgt.f32 v5, v3  }
0x93: {  	vm1 =	vgt.f32 v5, v1;
	v3 =	vsel vm0, v5, v3;
	v2 =	vsel vm0, $0xE, v2  }
0x94: {  	v3 =	vsel vm1, v1, v3;
	v2 =	vsel vm1, v6, v2;
	v6 =	vsel vm1, $0xE, v6  }
0x95: {  	s18 =	sshll.u32 s13, $0x5;
	s13 =	smov.u32 s17;
	v1 =	vsel vm1, v5, v1;
	vm0 =	vgt.f32 v4, v3  }
0x96: {  	s17 =	sand.u32 $0xFFFFFF00, s18;
	vm1 =	vgt.f32 v4, v1;
	v3 =	vsel vm0, v4, v3;
	v2 =	vsel vm0, $0xF, v2  }
0x97: {  	s17 =	sor.u32 s14, s17;
	v3 =	vsel vm1, v1, v3;
	v1 =	vsel vm1, v4, v1;
	v4 =	vsel vm1, $0xF, v6  }
0x98: {  	v2 =	vsel vm1, v6, v2;
	v1 =	vsub.f32 v3, v1;
	[tilespmem:s17+$0x2400] =	vst v4  }
0x99: {  	[tilespmem:s17+$0x2480] =	vst v2  }
0x9a: {  	v1 =	vmul.f32 $1.442695020e+00, v1;
	_ =	sdelay $0x1  }
0x9b: {  	(erf) = vpow2.f32 v1;
	_ =	sdelay $0x8  }
0x9c: {  	v1 =	vpop (erf)  }
0x9d: {  	v2 =	vadd.f32 $1.000000000e+00, v1;
	_ =	sdelay $0x1  }
0x9e: {  	(erf) = vrcp.f32 v2;
	_ =	sdelay $0x6  }
.Ltmp0:
0x9f: {  	(pc) =	sbr.rel @p0 .LBB2_2-.Ltmp0, $4  }
0xa0: {  	_ = 	snop  }
0xa1: {  	v2 =	vpop (erf)  }
0xa2: {  	s15 =	sadd.s32 $0x10, s15;
	s18 =	sshll.u32 s13, $0x7;
	[tilespmem:s17+$0x2000] =	vst v2;
	v1 =	vmul.f32 v2, v1  }
0xa3: {  	s14 =	sand.u32 $0x70, s15;
	s18 =	sand.u32 $0x3FFFFC00, s18  }
0xa4: {  	s15 =	sor.u32 s14, s18;
	[tilespmem:s17+$0x2080] =	vst v1  }
0xa5: {  	v1 =	vld [tilespmem:s15+$0x80]  }
0xa6: {  	v2 =	vld [tilespmem:s15+$0x0];
	_ =	sdelay $0x2  }
0xa7: {  	v3 =	vld [tilespmem:s15+$0x100]  }
0xa8: {  	vm0 =	vlt.f32 v1, $-Inf;
	vm1 =	vgt.f32 v1, $-Inf  }
0xa9: {  	v4 =	vimm.s32 $0x0;
	vm14 =	vgt.f32 v1, v2;
	vm0 =	vmor vm1, vm0  }
0xaa: {  	vm10 =	vmneg vm14;
	v4 =	vsel vm0, $0xFFFFFFFF, v4;
	v36 =	vnsel vm0, $0xFF800000, v1  }
0xab: {  	v5 =	vld [tilespmem:s15+$0x180];
	[tilespmem:$0x1FE80] =	vst v4;
	v4 =	vsel vm10, v36, v2  }
0xac: {  	v1 =	vsel vm10, v2, v1;
	v2 =	vimm.s32 $0x0;
	vm6 =	vgt.f32 v3, v4  }
0xad: {  	v2 =	vsel vm6, $0xFFFFFFFF, v2  }
0xae: {  	vm12 =	vgt.f32 v3, v1;
	[tilespmem:$0x1FE90] =	vst v2;
	v2 =	vsel vm6, v3, v4  }
0xaf: {  	v37 =	vld [tilespmem:s15+$0x200];
	v2 =	vsel vm12, v1, v2  }
0xb0: {  	v1 =	vsel vm12, v3, v1;
	v3 =	vimm.s32 $0x0;
	vm7 =	vgt.f32 v5, v2  }
0xb1: {  	v3 =	vsel vm7, $0xFFFFFFFF, v3  }
0xb2: {  	vm9 =	vgt.f32 v5, v1;
	v2 =	vsel vm7, v5, v2;
	[tilespmem:$0x1FEA0] =	vst v3;
	v3 =	vld [tilespmem:s15+$0x280]  }
0xb3: {  	v2 =	vsel vm9, v1, v2  }
0xb4: {  	v1 =	vsel vm9, v5, v1;
	vm13 =	vgt.f32 v37, v2  }
0xb5: {  	v39 =	vld [tilespmem:s15+$0x300];
	vm8 =	vgt.f32 v37, v1;
	v2 =	vsel vm13, v37, v2  }
0xb6: {  	v2 =	vsel vm8, v1, v2  }
0xb7: {  	v1 =	vsel vm8, v37, v1;
	vm15 =	vgt.f32 v3, v2  }
0xb8: {  	vm7 =	vgt.f32 v3, v1;
	v2 =	vsel vm15, v3, v2  }
0xb9: {  	v41 =	vld [tilespmem:s15+$0x380];
	v2 =	vsel vm7, v1, v2  }
0xba: {  	v1 =	vsel vm7, v3, v1;
	v3 =	vimm.s32 $0x0;
	vm4 =	vgt.f32 v39, v2  }
0xbb: {  	v3 =	vsel vm4, $0xFFFFFFFF, v3  }
0xbc: {  	vm11 =	vgt.f32 v39, v1;
	v2 =	vsel vm4, v39, v2;
	[tilespmem:$0x1FED0] =	vst v3;
	v3 =	vld [tilespmem:s15+$0x1000]  }
0xbd: {  	v2 =	vsel vm11, v1, v2  }
0xbe: {  	v38 =	vimm.s32 $0x0;
	v1 =	vsel vm11, v39, v1;
	vm5 =	vgt.f32 v41, v2  }
0xbf: {  	v43 =	vld [tilespmem:s15+$0x1080];
	v5 =	vsel vm13, $0xFFFFFFFF, v38;
	vm13 =	vgt.f32 v41, v1;
	v2 =	vsel vm5, v41, v2  }
0xc0: {  	v40 =	vimm.s32 $0x0;
	v44 =	vimm.s32 $0x0;
	v2 =	vsel vm13, v1, v2  }
0xc1: {  	v4 =	vsel vm15, $0xFFFFFFFF, v40;
	v1 =	vsel vm13, v41, v1;
	vm6 =	vgt.f32 v3, v2  }
0xc2: {  	[tilespmem:$0x1FEC0] =	vst v4;
	v4 =	vsel vm6, $0xFFFFFFFF, v44;
	v2 =	vsel vm6, v3, v2;
	vm6 =	vgt.f32 v3, v1  }
0xc3: {  	v45 =	vld [tilespmem:s15+$0x1100];
	v2 =	vsel vm6, v1, v2  }
0xc4: {  	v1 =	vsel vm6, v3, v1;
	v3 =	vimm.s32 $0x0;
	vm15 =	vgt.f32 v43, v2  }
0xc5: {  	v42 =	vimm.s32 $0x0;
	[tilespmem:$0x1FEB0] =	vst v5;
	v3 =	vsel vm15, $0xFFFFFFFF, v3  }
0xc6: {  	v5 =	vsel vm5, $0xFFFFFFFF, v42;
	vm5 =	vgt.f32 v43, v1;
	v2 =	vsel vm15, v43, v2;
	[tilespmem:$0x1FF00] =	vst v3;
	v3 =	vld [tilespmem:s15+$0x1180]  }
0xc7: {  	v2 =	vsel vm5, v1, v2  }
0xc8: {  	v46 =	vimm.s32 $0x0;
	v1 =	vsel vm5, v43, v1;
	vm4 =	vgt.f32 v45, v2  }
0xc9: {  	v47 =	vld [tilespmem:s15+$0x1200];
	[tilespmem:$0x1FEE0] =	vst v5;
	v5 =	vsel vm4, $0xFFFFFFFF, v46;
	v2 =	vsel vm4, v45, v2;
	vm4 =	vgt.f32 v45, v1  }
0xca: {  	v2 =	vsel vm4, v1, v2  }
0xcb: {  	v1 =	vsel vm4, v45, v1;
	vm15 =	vgt.f32 v3, v2  }
0xcc: {  	v48 =	vimm.s32 $0x0;
	vm3 =	vgt.f32 v3, v1;
	v2 =	vsel vm15, v3, v2  }
0xcd: {  	v49 =	vld [tilespmem:s15+$0x1280];
	[tilespmem:$0x1FEF0] =	vst v4;
	v4 =	vsel vm15, $0xFFFFFFFF, v48;
	v2 =	vsel vm3, v1, v2  }
0xce: {  	v1 =	vsel vm3, v3, v1;
	v3 =	vimm.s32 $0x0;
	vm15 =	vgt.f32 v47, v2  }
0xcf: {  	v52 =	vld [tilespmem:$0x1FE80];
	v3 =	vsel vm15, $0xFFFFFFFF, v3  }
0xd0: {  	vm2 =	vgt.f32 v47, v1;
	v2 =	vsel vm15, v47, v2;
	[tilespmem:$0x1FF30] =	vst v3;
	v3 =	vld [tilespmem:s15+$0x1300]  }
0xd1: {  	v2 =	vsel vm2, v1, v2  }
0xd2: {  	v1 =	vsel vm2, v47, v1;
	vm15 =	vgt.f32 v49, v2  }
0xd3: {  	vm1 =	vgt.f32 v49, v1;
	v2 =	vsel vm15, v49, v2  }
0xd4: {  	v50 =	vimm.s32 $0x0;
	vm0 =	vnez.u8 v52;
	v2 =	vsel vm1, v1, v2  }
0xd5: {  	[tilespmem:$0x1FF10] =	vst v5;
	v5 =	vsel vm15, $0xFFFFFFFF, v50;
	v1 =	vsel vm1, v49, v1;
	vm15 =	vgt.f32 v3, v2  }
0xd6: {  	v51 =	vld [tilespmem:s15+$0x1380];
	vm0 =	vmand vm10, vm0;
	vm10 =	vgt.f32 v3, v1;
	v2 =	vsel vm15, v3, v2  }
0xd7: {  	v2 =	vsel vm10, v1, v2;
	v1 =	vsel vm10, v3, v1;
	v3 =	vld [tilespmem:$0x1FE90];
	_ =	sdelay $0x1  }
0xd8: {  	v55 =	vld [tilespmem:$0x1FEA0];
	_ =	sdelay $0x1  }
0xd9: {  	v6 =	vsel vm14, $0x1, v0;
	v56 =	vld [tilespmem:$0x1FEB0]  }
0xda: {  	v53 =	vsel vm0, $0x1, v0;
	vm14 =	vgt.f32 v51, v2;
	vm0 =	vnez.u8 v3  }
0xdb: {  	v54 =	vsel vm12, $0x2, v6;
	v57 =	vld [tilespmem:$0x1FEC0];
	v2 =	vsel vm14, v51, v2;
	v3 =	vsel vm0, $0x2, v53  }
0xdc: {  	vm0 =	vgt.f32 v51, v1;
	v3 =	vsel vm12, v6, v3;
	vm12 =	vnez.u8 v55  }
0xdd: {  	v2 =	vsel vm0, v1, v2;
	v1 =	vsel vm0, v51, v1;
	v3 =	vsel vm12, $0x3, v3  }
0xde: {  	v1 =	vsub.f32 v2, v1;
	vm12 =	vnez.u8 v56;
	v2 =	vsel vm9, v54, v3  }
0xdf: {  	v3 =	vsel vm9, $0x3, v54;
	v2 =	vsel vm12, $0x4, v2  }
0xe0: {  	v1 =	vmul.f32 $1.442695020e+00, v1;
	vm12 =	vnez.u8 v57;
	v2 =	vsel vm8, v3, v2  }
0xe1: {  	v3 =	vsel vm8, $0x4, v3;
	v2 =	vsel vm12, $0x5, v2  }
0xe2: {  	(erf) = vpow2.f32 v1;
	v1 =	vsel vm7, v3, v2;
	v2 =	vsel vm7, $0x5, v3;
	v3 =	vld [tilespmem:$0x1FED0];
	_ =	sdelay $0x4  }
0xe3: {  	vm9 =	vnez.u8 v3;
	v3 =	vld [tilespmem:$0x1FEE0];
	_ =	sdelay $0x3  }
0xe4: {  	v1 =	vsel vm9, $0x6, v1  }
0xe5: {  	v1 =	vsel vm11, v2, v1;
	v2 =	vsel vm11, $0x6, v2;
	vm11 =	vnez.u8 v3;
	v3 =	vld [tilespmem:$0x1FEF0];
	_ =	sdelay $0x4  }
0xe6: {  	vm12 =	vnez.u8 v3;
	v3 =	vld [tilespmem:$0x1FF00];
	_ =	sdelay $0x1  }
0xe7: {  	v58 =	vld [tilespmem:$0x1FF10];
	v1 =	vsel vm11, $0x7, v1  }
0xe8: {  	[tilespmem:$0x1FF20] =	vst v4;
	v1 =	vsel vm13, v2, v1  }
0xe9: {  	v60 =	vld [tilespmem:$0x1FF20];
	v2 =	vsel vm13, $0x7, v2;
	v1 =	vsel vm12, $0x8, v1  }
0xea: {  	v1 =	vsel vm6, v2, v1;
	vm13 =	vnez.u8 v3  }
0xeb: {  	v61 =	vld [tilespmem:$0x1FF30];
	v2 =	vsel vm6, $0x8, v2;
	v1 =	vsel vm13, $0x9, v1  }
0xec: {  	[tilespmem:$0x1FF40] =	vst v5;
	vm9 =	vnez.u8 v58;
	v1 =	vsel vm5, v2, v1  }
0xed: {  	v62 =	vld [tilespmem:$0x1FF40];
	v3 =	vpop (erf);
	v2 =	vsel vm5, $0x9, v2;
	v1 =	vsel vm9, $0xA, v1  }
0xee: {  	vm11 =	vnez.u8 v60;
	v59 =	vadd.f32 $1.000000000e+00, v3;
	v1 =	vsel vm4, v2, v1  }
0xef: {  	v2 =	vsel vm4, $0xA, v2;
	v1 =	vsel vm11, $0xB, v1  }
0xf0: {  	vm12 =	vnez.u8 v61;
	(erf) = vrcp.f32 v59;
	v1 =	vsel vm3, v2, v1  }
0xf1: {  	v2 =	vsel vm3, $0xB, v2;
	v1 =	vsel vm12, $0xC, v1  }
0xf2: {  	vm13 =	vnez.u8 v62;
	v1 =	vsel vm2, v2, v1  }
0xf3: {  	v2 =	vsel vm2, $0xC, v2;
	v1 =	vsel vm13, $0xD, v1  }
0xf4: {  	v1 =	vsel vm1, v2, v1  }
0xf5: {  	v2 =	vsel vm1, $0xD, v2;
	v1 =	vsel vm15, $0xE, v1  }
0xf6: {  	s13 =	sshll.u32 s13, $0x5;
	v1 =	vsel vm10, v2, v1;
	v2 =	vsel vm10, $0xE, v2  }
0xf7: {  	s13 =	sand.u32 $0xFFFFFF00, s13  }
0xf8: {  	s13 =	sor.u32 s14, s13;
	v1 =	vsel vm14, $0xF, v1;
	v63 =	vsel vm0, $0xF, v2  }
0xf9: {  	v1 =	vsel vm0, v2, v1;
	[tilespmem:s13+$0x2400] =	vst v63;
	v2 =	vpop (erf)  }
0xfa: {  	[tilespmem:s13+$0x2480] =	vst v1;
	v1 =	vmul.f32 v2, v3  }
0xfb: {  	[tilespmem:s13+$0x2000] =	vst v2  }
0xfc: {  	[tilespmem:s13+$0x2080] =	vst v1  }
0xfd: {  	[hbm4b:s4+s2] =	stream.linear.scatter [tilespmem:s10], [sflag:$0x1], $0x400, $0x38;
	[tilespmem:$0x2800] =	vst v63  }
0xfe: {  	s12 =	sadd.s32 $0x1, s12;
	_ =	swait.ge [sflag:s9], $0x400  }
0xff: {  	p0 =	sne.s32 s12, s6;
	[sflag:s9] =	ssyncset.done $0x0  }
.Ltmp1:
0x100: {  	[sflag:s9] =	ssyncadd.s32 $0xFFFFFC00;
	(pc) =	sbr.rel @p0 .LBB2_1-.Ltmp1, $4  }
0x101: {  	[hbm4b:s5+s2] =	stream.linear.scatter [tilespmem:s11], [sflag:$0x1], $0x400, $0x38;
	[tilespmem:$0x2800] =	vst v63  }
0x102: {  	_ =	swait.ge [sflag:s9], $0x400  }
0x103: {  	[sflag:s9] =	ssyncset.done $0x0  }
0x104: {  	[sflag:s9] =	ssyncadd.s32 $0xFFFFFC00  }
0x105: {  	_ =	sfence.sel $0x180000  }
0x106: {  	[bflag:$0x0] =	sbarrier.arrive $0xFFFF  }
0x107: {  	p0 =	sne.s32 s1, $0x0;
	_ =	strace $0x90000047  }
0x108: {  	s0 =	sadd.s32 @!p0 $0x100000, s0;
	[bflag:$0x2] =	sbarrier.arrive $0xFFFF  }
0x109: {  	[sflag:s0] =	ssyncadd.tile.s32 @!p0 $0x1;
	_ =	shalt  }
.Lfunc_end2:
_tile_overlayer_lowered:
.L_overlay_start_2:
0x10a: {  	(tag) =	ssettag $0x2  }
0x10b: {  	s0 =	rddreg [dreg:$0x0];
	s2 =	stileid.u32  }
0x10c: {  	s1 =	rddreg [dreg:$0x1];
	p0 =	sne.s32 s2, $0x0  }
0x10d: {  	s3 =	rddreg [dreg:$0x2];
	[bflag:$0x3] =	sbarrier.arrive $0xFFFF;
	s2 =	simm.s32 @!p0 $0x1C01  }
0x10e: {  	[timem:s3], [sflag:s2] =	dma.local @!p0 [hbm:s0], s1  }
0x10f: {  	s0 =	simm.s32 @!p0 $0x1  }
0x110: {  	_ =	swait.ge @!p0 [sflag:s0], s1  }
0x111: {  	s1 =	ssub.s32 @!p0 $0x0, s1;
	[sflag:s0] =	ssyncset.done @!p0 $0x0  }
0x112: {  	[sflag:s0] =	ssyncadd.s32 @!p0 s1  }
0x113: {  	[bflag:$0x3] =	sbarrier.arrive $0xFFFF  }
0x114: {  	_ =	shalt  }

</sc_bundles>
